<compile_context>
chip_gen: v7x
topology: tpu7x:2x2x1
jax: 0.10.2.dev20260603
libtpu: 0.0.44.dev20260713+nightly
codegen_flags: <defaults>
</compile_context>

<pallas_src>
import functools

import jax
import jax.numpy as jnp
from jax import lax
from jax.experimental import pallas as pl
from jax.experimental.pallas import tpu as pltpu
from jax.experimental.pallas import tpu_sc as plsc

N = 4096
C = 64
H = 8
W = 8
E = 131072
F = H * W * C


NC = 2
NS = 16
NW = NC * NS
LANES = 16
ROWS_PB = 16
PASSES = N // (NW * ROWS_PB)
CHUNK_E = 8192
NCHUNK = E // CHUNK_E
UNROLL = 8

def _build_adj_body(dst_hbm, src_hbm, a_out, dbuf, sbuf, acc, dsem, ssem):
    wid = lax.axis_index("s") * NC + lax.axis_index("c")
    zeros16 = jnp.zeros((LANES,), jnp.float32)

    def start_chunk(ci, slot):
        off = ci * CHUNK_E
        pltpu.async_copy(
            dst_hbm.at[pl.ds(off, CHUNK_E)],
            dbuf.at[pl.ds(slot * CHUNK_E, CHUNK_E)],
            dsem,
        )
        pltpu.async_copy(
            src_hbm.at[pl.ds(off, CHUNK_E)],
            sbuf.at[pl.ds(slot * CHUNK_E, CHUNK_E)],
            ssem,
        )

    def wait_chunk(slot):
        pltpu.make_async_copy(
            dst_hbm.at[pl.ds(0, CHUNK_E)],
            dbuf.at[pl.ds(slot * CHUNK_E, CHUNK_E)],
            dsem,
        ).wait()
        pltpu.make_async_copy(
            src_hbm.at[pl.ds(0, CHUNK_E)],
            sbuf.at[pl.ds(slot * CHUNK_E, CHUNK_E)],
            ssem,
        ).wait()

    def process_group(gbase, base):
        dvs = [dbuf[pl.ds(gbase + uu * LANES, LANES)] for uu in range(UNROLL)]
        svs = [sbuf[pl.ds(gbase + uu * LANES, LANES)] for uu in range(UNROLL)]
        rels = [dv - base for dv in dvs]
        rows = [rel & (ROWS_PB - 1) for rel in rels]
        vals = [
            (plsc.bitcast(rel, jnp.uint32) < jnp.uint32(ROWS_PB)).astype(
                jnp.float32
            )
            for rel in rels
        ]
        for row, sv, val in zip(rows, svs, vals):
            plsc.addupdate_scatter(acc, [row, sv], val)

    def pass_body(p, _):
        base = (wid * PASSES + p) * ROWS_PB

        def zero_body(j, _):
            for rr in range(ROWS_PB):
                acc[rr, pl.ds(j * LANES, LANES)] = zeros16
            return _

        lax.fori_loop(0, N // LANES, zero_body, 0)

        start_chunk(0, 0)
        GE = LANES * UNROLL

        def chunk_body(ci, _):
            slot = lax.rem(ci, 2)
            wait_chunk(slot)

            @pl.when(ci + 1 < NCHUNK)
            def _():
                start_chunk(ci + 1, 1 - slot)

            sbase = slot * CHUNK_E

            def edge_body(i, _):
                process_group(sbase + i * GE, base)
                return _

            lax.fori_loop(0, CHUNK_E // GE, edge_body, 0)
            return 0

        lax.fori_loop(0, NCHUNK, chunk_body, 0)
        pltpu.sync_copy(acc, a_out.at[pl.ds(base, ROWS_PB), :])
        return 0

    lax.fori_loop(0, PASSES, pass_body, 0)


@functools.cache
def _get_build_adj():
    mesh = plsc.VectorSubcoreMesh(core_axis_name="c", subcore_axis_name="s")
    return pl.kernel(
        _build_adj_body,
        mesh=mesh,
        compiler_params=pltpu.CompilerParams(needs_layout_passes=False),
        out_type=jax.ShapeDtypeStruct((N, N), jnp.float32),
        scratch_types=[
            pltpu.VMEM((2 * CHUNK_E,), jnp.int32),
            pltpu.VMEM((2 * CHUNK_E,), jnp.int32),
            pltpu.VMEM((ROWS_PB, N), jnp.float32),
            pltpu.SemaphoreType.DMA,
            pltpu.SemaphoreType.DMA,
        ],
    )



BN = 32
TAPS = [(dh, dw) for dh in range(3) for dw in range(3)]


def _conv_body(x_ref, wb_ref, yw_ref, uh_ref):
    xb = x_ref[...]
    xp = jnp.pad(xb, ((0, 0), (1, 1), (1, 1), (0, 0)))
    cols = [
        xp[:, dh:dh + H, dw:dw + W, :].reshape(BN * H * W, C)
        for (dh, dw) in TAPS
    ]
    xcol = jnp.concatenate(cols, axis=1)
    y2 = jnp.dot(
        xcol.astype(jnp.bfloat16),
        wb_ref[...],
        preferred_element_type=jnp.float32,
    )
    y3 = y2.reshape(BN, H * W, 2 * C)
    yw_ref[...] = y3[:, :, :C].reshape(BN, F)
    uh_ref[...] = y3[:, :, C:].reshape(BN, F).astype(jnp.bfloat16)


def _convs(x2, wbflat):
    return pl.pallas_call(
        _conv_body,
        grid=(N // BN,),
        in_specs=[
            pl.BlockSpec((BN, H, W, C), lambda i: (i, 0, 0, 0)),
            pl.BlockSpec((9 * C, 2 * C), lambda i: (0, 0)),
        ],
        out_specs=[
            pl.BlockSpec((BN, F), lambda i: (i, 0)),
            pl.BlockSpec((BN, F), lambda i: (i, 0)),
        ],
        out_shape=[
            jax.ShapeDtypeStruct((N, F), jnp.float32),
            jax.ShapeDtypeStruct((N, F), jnp.bfloat16),
        ],
    )(x2, wbflat)



BM = 128
BK = 1024
NK = N // BK


def _agg_body(a_ref, uh_ref, yw_ref, wb_ref, bb_ref, y_ref,
              acc_ref, deg_ref):
    k = pl.program_id(1)

    @pl.when(k == 0)
    def _():
        acc_ref[...] = jnp.zeros_like(acc_ref)
        deg_ref[...] = jnp.zeros_like(deg_ref)

    ab = a_ref[...]
    abh = ab.astype(jnp.bfloat16)
    acc_ref[...] += jnp.dot(
        abh, uh_ref[...], preferred_element_type=jnp.float32
    )
    deg_ref[...] += jnp.sum(ab, axis=1, keepdims=True)

    @pl.when(k == NK - 1)
    def _():
        deg = jnp.maximum(deg_ref[...], 1.0)
        y = yw_ref[...] + wb_ref[...] + acc_ref[...] / deg + bb_ref[...]
        y_ref[...] = jnp.maximum(y, 0.0)


def _aggregate(a, uh, yw, wb_full, bb_full):
    return pl.pallas_call(
        _agg_body,
        grid=(N // BM, NK),
        in_specs=[
            pl.BlockSpec((BM, BK), lambda i, k: (i, k)),
            pl.BlockSpec((BK, F), lambda i, k: (k, 0)),
            pl.BlockSpec((BM, F), lambda i, k: (i, 0)),
            pl.BlockSpec((1, F), lambda i, k: (0, 0)),
            pl.BlockSpec((1, F), lambda i, k: (0, 0)),
        ],
        out_specs=pl.BlockSpec((BM, F), lambda i, k: (i, 0)),
        out_shape=jax.ShapeDtypeStruct((N, F), jnp.float32),
        scratch_shapes=[
            pltpu.VMEM((BM, F), jnp.float32),
            pltpu.VMEM((BM, 1), jnp.float32),
        ],
    )(a, uh, yw, wb_full, bb_full)




@jax.jit
def kernel(x, edge_index, W_w, W_b, B_w, B_b):
    src = edge_index[0]
    dst = edge_index[1]

    x2 = jnp.transpose(x, (0, 2, 3, 1))

    wb = jnp.stack(
        [
            jnp.concatenate(
                [W_w[:, :, dh, dw].T, B_w[:, :, dh, dw].T], axis=1
            )
            for (dh, dw) in TAPS
        ]
    )
    wbflat = wb.reshape(9 * C, 2 * C).astype(jnp.bfloat16)

    wb_full = jnp.tile(W_b, H * W)[None, :]
    bb_full = jnp.tile(B_b, H * W)[None, :]

    a = _get_build_adj()(dst, src)
    yw, uh = _convs(x2, wbflat)
    y = _aggregate(a, uh, yw, wb_full, bb_full)

    return jnp.transpose(y.reshape(N, H, W, C), (0, 3, 1, 2))

# --- scband reference (transcript-rebuilt; emitter-appended) ---
"""Pipeline reference for scband-spatio-temporal-gnnlayer-9921374454080 (READ-ONLY COPY).

The authoritative reference and input builder live on the scoring server;
editing this copy changes nothing except your own understanding.
"""

import jax, jax.numpy as jnp
import numpy as np

N = 4096
C = 64
H = 8
W = 8
E = 131072


def setup_inputs(seed: int = 0) -> dict:
    key = jax.random.key(seed)
    k1, k2, k3, k4, k5, k6 = jax.random.split(key, 6)
    x = jax.random.normal(k1, (N, C, H, W), dtype=jnp.float32)
    edge_index = jax.random.randint(k2, (2, E), 0, N, dtype=jnp.int32)
    fan = C * 3 * 3
    scale = 1.0 / np.sqrt(fan)
    W_w = jax.random.uniform(k3, (C, C, 3, 3), dtype=jnp.float32, minval=-scale, maxval=scale)
    W_b = jax.random.uniform(k4, (C,), dtype=jnp.float32, minval=-scale, maxval=scale)
    B_w = jax.random.uniform(k5, (C, C, 3, 3), dtype=jnp.float32, minval=-scale, maxval=scale)
    B_b = jax.random.uniform(k6, (C,), dtype=jnp.float32, minval=-scale, maxval=scale)
    return {"x": x, "edge_index": edge_index, "W_w": W_w, "W_b": W_b, "B_w": B_w, "B_b": B_b}


def _conv2d_same(inp, w, b):
    y = jax.lax.conv_general_dilated(
        inp, w,
        window_strides=(1, 1),
        padding=((1, 1), (1, 1)),
        dimension_numbers=("NCHW", "OIHW", "NCHW"),
    )
    return y + b[None, :, None, None]


def reference(x, edge_index, W_w, W_b, B_w, B_b):
    src = edge_index[0]
    dst = edge_index[1]
    # scatter-add message passing: out[dst] += x[src]
    out = jnp.zeros_like(x).at[dst].add(x[src])
    in_degree = jnp.zeros((x.shape[0],), dtype=x.dtype).at[dst].add(1.0)
    in_degree = jnp.clip(in_degree, 1.0, None)
    out = out / in_degree[:, None, None, None]
    y = _conv2d_same(x, W_w, W_b) + _conv2d_same(out, B_w, B_b)
    return jax.nn.relu(y)

if __name__ == "__main__":
    import jax
    _d = setup_inputs()
    print(jax.jit(kernel)(*tuple(_d.values())))

</pallas_src>

<mosaic_0001>
#map = affine_map<(d0, d1) -> (0)>
#map1 = affine_map<(d0, d1) -> (0, 0)>
module attributes {stable_mosaic.version = 14 : i64} {
  func.func @_build_adj_body(%arg0: i32, %arg1: i32, %arg2: memref<131072xi32, #tpu.memory_space<hbm>>, %arg3: memref<131072xi32, #tpu.memory_space<hbm>>, %arg4: memref<4096x4096xf32, #tpu.memory_space<hbm>>, %arg5: memref<16384xi32, #tpu.memory_space<vmem>>, %arg6: memref<16384xi32, #tpu.memory_space<vmem>>, %arg7: memref<16x4096xf32, #tpu.memory_space<vmem>>, %arg8: memref<!tpu.dma_semaphore, #tpu.memory_space<semaphore_mem>>, %arg9: memref<!tpu.dma_semaphore, #tpu.memory_space<semaphore_mem>>) attributes {dimension_semantics = [#tpu.dimension_semantics<core_parallel>, #tpu.dimension_semantics<subcore_parallel>], iteration_bounds = array<i64: 2, 16>, scalar_prefetch = 0 : i64, scratch_operands = 5 : i64, tpu.core_type = #tpu.core_type<sc_vector_subcore>, window_params = [{transform_indices = #map}, {transform_indices = #map}, {transform_indices = #map1}]} {
    %mul3A = arith.constant 2 : i32
    %mul3A_0 = arith.muli %arg1, %mul3A : i32
    %add3A = arith.addi %mul3A_0, %arg0 : i32
    %broadcast_in_dim3A = arith.constant 0.000000e+00 : f32
    %broadcast_in_dim3A_1 = vector.broadcast %broadcast_in_dim3A : f32 to vector<16xf32>
    %scan3A = arith.constant 0 : i32
    %scan3A_2 = arith.constant 0 : i32
    %scan3A_3 = arith.constant 8 : i32
    %scan3A_4 = arith.addi %scan3A_2, %scan3A_3 : i32
    %scan3A_5 = arith.constant 1 : i32
    %scan3A_6 = scf.for %scan3A_8 = %scan3A_2 to %scan3A_4 step %scan3A_5 iter_args(%scan3A_9 = %scan3A) -> (i32)  : i32 {
      %mul3A_10 = arith.constant 8 : i32
      %mul3A_11 = arith.muli %add3A, %mul3A_10 : i32
      %add3A_12 = arith.addi %mul3A_11, %scan3A_8 : i32
      %mul3A_13 = arith.constant 16 : i32
      %mul3A_14 = arith.muli %add3A_12, %mul3A_13 : i32
      %scan3A_15 = arith.constant 0 : i32
      %scan3A_16 = arith.constant 0 : i32
      %scan3A_17 = arith.constant 256 : i32
      %scan3A_18 = arith.addi %scan3A_16, %scan3A_17 : i32
      %scan3A_19 = arith.constant 1 : i32
      scf.for %scan3A_44 = %scan3A_16 to %scan3A_18 step %scan3A_19  : i32 {
        %mul3A_45 = arith.constant 16 : i32
        %mul3A_46 = arith.muli %scan3A_44, %mul3A_45 : i32
        %swap3A = arith.constant 0 : i32
        %swap3A_47 = arith.index_cast %swap3A : i32 to index
        %swap3A_48 = arith.index_cast %mul3A_46 : i32 to index
        %swap3A_49 = tpu.vector_load %arg7[%swap3A_47, %swap3A_48] {strides = array<i32>} : memref<16x4096xf32, #tpu.memory_space<vmem>>, vector<16xf32>,
        tpu.vector_store %arg7[%swap3A_47, %swap3A_48], %broadcast_in_dim3A_1 {strides = array<i32>} : memref<16x4096xf32, #tpu.memory_space<vmem>>, vector<16xf32>,
        %mul3A_50 = arith.constant 16 : i32
        %mul3A_51 = arith.muli %scan3A_44, %mul3A_50 : i32
        %swap3A_52 = arith.constant 1 : i32
        %swap3A_53 = arith.index_cast %swap3A_52 : i32 to index
        %swap3A_54 = arith.index_cast %mul3A_51 : i32 to index
        %swap3A_55 = tpu.vector_load %arg7[%swap3A_53, %swap3A_54] {strides = array<i32>} : memref<16x4096xf32, #tpu.memory_space<vmem>>, vector<16xf32>,
        tpu.vector_store %arg7[%swap3A_53, %swap3A_54], %broadcast_in_dim3A_1 {strides = array<i32>} : memref<16x4096xf32, #tpu.memory_space<vmem>>, vector<16xf32>,
        %mul3A_56 = arith.constant 16 : i32
        %mul3A_57 = arith.muli %scan3A_44, %mul3A_56 : i32
        %swap3A_58 = arith.constant 2 : i32
        %swap3A_59 = arith.index_cast %swap3A_58 : i32 to index
        %swap3A_60 = arith.index_cast %mul3A_57 : i32 to index
        %swap3A_61 = tpu.vector_load %arg7[%swap3A_59, %swap3A_60] {strides = array<i32>} : memref<16x4096xf32, #tpu.memory_space<vmem>>, vector<16xf32>,
        tpu.vector_store %arg7[%swap3A_59, %swap3A_60], %broadcast_in_dim3A_1 {strides = array<i32>} : memref<16x4096xf32, #tpu.memory_space<vmem>>, vector<16xf32>,
        %mul3A_62 = arith.constant 16 : i32
        %mul3A_63 = arith.muli %scan3A_44, %mul3A_62 : i32
        %swap3A_64 = arith.constant 3 : i32
        %swap3A_65 = arith.index_cast %swap3A_64 : i32 to index
        %swap3A_66 = arith.index_cast %mul3A_63 : i32 to index
        %swap3A_67 = tpu.vector_load %arg7[%swap3A_65, %swap3A_66] {strides = array<i32>} : memref<16x4096xf32, #tpu.memory_space<vmem>>, vector<16xf32>,
        tpu.vector_store %arg7[%swap3A_65, %swap3A_66], %broadcast_in_dim3A_1 {strides = array<i32>} : memref<16x4096xf32, #tpu.memory_space<vmem>>, vector<16xf32>,
        %mul3A_68 = arith.constant 16 : i32
        %mul3A_69 = arith.muli %scan3A_44, %mul3A_68 : i32
        %swap3A_70 = arith.constant 4 : i32
        %swap3A_71 = arith.index_cast %swap3A_70 : i32 to index
        %swap3A_72 = arith.index_cast %mul3A_69 : i32 to index
        %swap3A_73 = tpu.vector_load %arg7[%swap3A_71, %swap3A_72] {strides = array<i32>} : memref<16x4096xf32, #tpu.memory_space<vmem>>, vector<16xf32>,
        tpu.vector_store %arg7[%swap3A_71, %swap3A_72], %broadcast_in_dim3A_1 {strides = array<i32>} : memref<16x4096xf32, #tpu.memory_space<vmem>>, vector<16xf32>,
        %mul3A_74 = arith.constant 16 : i32
        %mul3A_75 = arith.muli %scan3A_44, %mul3A_74 : i32
        %swap3A_76 = arith.constant 5 : i32
        %swap3A_77 = arith.index_cast %swap3A_76 : i32 to index
        %swap3A_78 = arith.index_cast %mul3A_75 : i32 to index
        %swap3A_79 = tpu.vector_load %arg7[%swap3A_77, %swap3A_78] {strides = array<i32>} : memref<16x4096xf32, #tpu.memory_space<vmem>>, vector<16xf32>,
        tpu.vector_store %arg7[%swap3A_77, %swap3A_78], %broadcast_in_dim3A_1 {strides = array<i32>} : memref<16x4096xf32, #tpu.memory_space<vmem>>, vector<16xf32>,
        %mul3A_80 = arith.constant 16 : i32
        %mul3A_81 = arith.muli %scan3A_44, %mul3A_80 : i32
        %swap3A_82 = arith.constant 6 : i32
        %swap3A_83 = arith.index_cast %swap3A_82 : i32 to index
        %swap3A_84 = arith.index_cast %mul3A_81 : i32 to index
        %swap3A_85 = tpu.vector_load %arg7[%swap3A_83, %swap3A_84] {strides = array<i32>} : memref<16x4096xf32, #tpu.memory_space<vmem>>, vector<16xf32>,
        tpu.vector_store %arg7[%swap3A_83, %swap3A_84], %broadcast_in_dim3A_1 {strides = array<i32>} : memref<16x4096xf32, #tpu.memory_space<vmem>>, vector<16xf32>,
        %mul3A_86 = arith.constant 16 : i32
        %mul3A_87 = arith.muli %scan3A_44, %mul3A_86 : i32
        %swap3A_88 = arith.constant 7 : i32
        %swap3A_89 = arith.index_cast %swap3A_88 : i32 to index
        %swap3A_90 = arith.index_cast %mul3A_87 : i32 to index
        %swap3A_91 = tpu.vector_load %arg7[%swap3A_89, %swap3A_90] {strides = array<i32>} : memref<16x4096xf32, #tpu.memory_space<vmem>>, vector<16xf32>,
        tpu.vector_store %arg7[%swap3A_89, %swap3A_90], %broadcast_in_dim3A_1 {strides = array<i32>} : memref<16x4096xf32, #tpu.memory_space<vmem>>, vector<16xf32>,
        %mul3A_92 = arith.constant 16 : i32
        %mul3A_93 = arith.muli %scan3A_44, %mul3A_92 : i32
        %swap3A_94 = arith.constant 8 : i32
        %swap3A_95 = arith.index_cast %swap3A_94 : i32 to index
        %swap3A_96 = arith.index_cast %mul3A_93 : i32 to index
        %swap3A_97 = tpu.vector_load %arg7[%swap3A_95, %swap3A_96] {strides = array<i32>} : memref<16x4096xf32, #tpu.memory_space<vmem>>, vector<16xf32>,
        tpu.vector_store %arg7[%swap3A_95, %swap3A_96], %broadcast_in_dim3A_1 {strides = array<i32>} : memref<16x4096xf32, #tpu.memory_space<vmem>>, vector<16xf32>,
        %mul3A_98 = arith.constant 16 : i32
        %mul3A_99 = arith.muli %scan3A_44, %mul3A_98 : i32
        %swap3A_100 = arith.constant 9 : i32
        %swap3A_101 = arith.index_cast %swap3A_100 : i32 to index
        %swap3A_102 = arith.index_cast %mul3A_99 : i32 to index
        %swap3A_103 = tpu.vector_load %arg7[%swap3A_101, %swap3A_102] {strides = array<i32>} : memref<16x4096xf32, #tpu.memory_space<vmem>>, vector<16xf32>,
        tpu.vector_store %arg7[%swap3A_101, %swap3A_102], %broadcast_in_dim3A_1 {strides = array<i32>} : memref<16x4096xf32, #tpu.memory_space<vmem>>, vector<16xf32>,
        %mul3A_104 = arith.constant 16 : i32
        %mul3A_105 = arith.muli %scan3A_44, %mul3A_104 : i32
        %swap3A_106 = arith.constant 10 : i32
        %swap3A_107 = arith.index_cast %swap3A_106 : i32 to index
        %swap3A_108 = arith.index_cast %mul3A_105 : i32 to index
        %swap3A_109 = tpu.vector_load %arg7[%swap3A_107, %swap3A_108] {strides = array<i32>} : memref<16x4096xf32, #tpu.memory_space<vmem>>, vector<16xf32>,
        tpu.vector_store %arg7[%swap3A_107, %swap3A_108], %broadcast_in_dim3A_1 {strides = array<i32>} : memref<16x4096xf32, #tpu.memory_space<vmem>>, vector<16xf32>,
        %mul3A_110 = arith.constant 16 : i32
        %mul3A_111 = arith.muli %scan3A_44, %mul3A_110 : i32
        %swap3A_112 = arith.constant 11 : i32
        %swap3A_113 = arith.index_cast %swap3A_112 : i32 to index
        %swap3A_114 = arith.index_cast %mul3A_111 : i32 to index
        %swap3A_115 = tpu.vector_load %arg7[%swap3A_113, %swap3A_114] {strides = array<i32>} : memref<16x4096xf32, #tpu.memory_space<vmem>>, vector<16xf32>,
        tpu.vector_store %arg7[%swap3A_113, %swap3A_114], %broadcast_in_dim3A_1 {strides = array<i32>} : memref<16x4096xf32, #tpu.memory_space<vmem>>, vector<16xf32>,
        %mul3A_116 = arith.constant 16 : i32
        %mul3A_117 = arith.muli %scan3A_44, %mul3A_116 : i32
        %swap3A_118 = arith.constant 12 : i32
        %swap3A_119 = arith.index_cast %swap3A_118 : i32 to index
        %swap3A_120 = arith.index_cast %mul3A_117 : i32 to index
        %swap3A_121 = tpu.vector_load %arg7[%swap3A_119, %swap3A_120] {strides = array<i32>} : memref<16x4096xf32, #tpu.memory_space<vmem>>, vector<16xf32>,
        tpu.vector_store %arg7[%swap3A_119, %swap3A_120], %broadcast_in_dim3A_1 {strides = array<i32>} : memref<16x4096xf32, #tpu.memory_space<vmem>>, vector<16xf32>,
        %mul3A_122 = arith.constant 16 : i32
        %mul3A_123 = arith.muli %scan3A_44, %mul3A_122 : i32
        %swap3A_124 = arith.constant 13 : i32
        %swap3A_125 = arith.index_cast %swap3A_124 : i32 to index
        %swap3A_126 = arith.index_cast %mul3A_123 : i32 to index
        %swap3A_127 = tpu.vector_load %arg7[%swap3A_125, %swap3A_126] {strides = array<i32>} : memref<16x4096xf32, #tpu.memory_space<vmem>>, vector<16xf32>,
        tpu.vector_store %arg7[%swap3A_125, %swap3A_126], %broadcast_in_dim3A_1 {strides = array<i32>} : memref<16x4096xf32, #tpu.memory_space<vmem>>, vector<16xf32>,
        %mul3A_128 = arith.constant 16 : i32
        %mul3A_129 = arith.muli %scan3A_44, %mul3A_128 : i32
        %swap3A_130 = arith.constant 14 : i32
        %swap3A_131 = arith.index_cast %swap3A_130 : i32 to index
        %swap3A_132 = arith.index_cast %mul3A_129 : i32 to index
        %swap3A_133 = tpu.vector_load %arg7[%swap3A_131, %swap3A_132] {strides = array<i32>} : memref<16x4096xf32, #tpu.memory_space<vmem>>, vector<16xf32>,
        tpu.vector_store %arg7[%swap3A_131, %swap3A_132], %broadcast_in_dim3A_1 {strides = array<i32>} : memref<16x4096xf32, #tpu.memory_space<vmem>>, vector<16xf32>,
        %mul3A_134 = arith.constant 16 : i32
        %mul3A_135 = arith.muli %scan3A_44, %mul3A_134 : i32
        %swap3A_136 = arith.constant 15 : i32
        %swap3A_137 = arith.index_cast %swap3A_136 : i32 to index
        %swap3A_138 = arith.index_cast %mul3A_135 : i32 to index
        %swap3A_139 = tpu.vector_load %arg7[%swap3A_137, %swap3A_138] {strides = array<i32>} : memref<16x4096xf32, #tpu.memory_space<vmem>>, vector<16xf32>,
        tpu.vector_store %arg7[%swap3A_137, %swap3A_138], %broadcast_in_dim3A_1 {strides = array<i32>} : memref<16x4096xf32, #tpu.memory_space<vmem>>, vector<16xf32>,
      }
      %scan3A_20 = arith.constant 256 : i32
      %dma_start3A = arith.constant 0 : i32
      %dma_start3A_21 = tpu.memref_slice %arg5[%dma_start3A] : memref<16384xi32, #tpu.memory_space<vmem>> -> memref<8192xi32, #tpu.memory_space<vmem>>
      %dma_start3A_22 = arith.constant 0 : i32
      %dma_start3A_23 = tpu.memref_slice %arg2[%dma_start3A_22] : memref<131072xi32, #tpu.memory_space<hbm>> -> memref<8192xi32, #tpu.memory_space<hbm>>
      %dma_start3A_24 = arith.constant 0 : i32
      %dma_start3A_25 = tpu.memref_slice %arg5[%dma_start3A_24] : memref<16384xi32, #tpu.memory_space<vmem>> -> memref<8192xi32, #tpu.memory_space<vmem>>
      %dma_start3A_26 = arith.constant 0 : i32
      %dma_start3A_27 = tpu.memref_slice %arg2[%dma_start3A_26] : memref<131072xi32, #tpu.memory_space<hbm>> -> memref<8192xi32, #tpu.memory_space<hbm>>
      tpu.enqueue_dma source(%dma_start3A_27 : memref<8192xi32, #tpu.memory_space<hbm>>) target(%dma_start3A_25 : memref<8192xi32, #tpu.memory_space<vmem>>) target_semaphore(%arg8 : memref<!tpu.dma_semaphore, #tpu.memory_space<semaphore_mem>>)
      %dma_start3A_28 = arith.constant 0 : i32
      %dma_start3A_29 = tpu.memref_slice %arg6[%dma_start3A_28] : memref<16384xi32, #tpu.memory_space<vmem>> -> memref<8192xi32, #tpu.memory_space<vmem>>
      %dma_start3A_30 = arith.constant 0 : i32
      %dma_start3A_31 = tpu.memref_slice %arg3[%dma_start3A_30] : memref<131072xi32, #tpu.memory_space<hbm>> -> memref<8192xi32, #tpu.memory_space<hbm>>
      %dma_start3A_32 = arith.constant 0 : i32
      %dma_start3A_33 = tpu.memref_slice %arg6[%dma_start3A_32] : memref<16384xi32, #tpu.memory_space<vmem>> -> memref<8192xi32, #tpu.memory_space<vmem>>
      %dma_start3A_34 = arith.constant 0 : i32
      %dma_start3A_35 = tpu.memref_slice %arg3[%dma_start3A_34] : memref<131072xi32, #tpu.memory_space<hbm>> -> memref<8192xi32, #tpu.memory_space<hbm>>
      tpu.enqueue_dma source(%dma_start3A_35 : memref<8192xi32, #tpu.memory_space<hbm>>) target(%dma_start3A_33 : memref<8192xi32, #tpu.memory_space<vmem>>) target_semaphore(%arg9 : memref<!tpu.dma_semaphore, #tpu.memory_space<semaphore_mem>>)
      %scan3A_36 = arith.constant 0 : i32
      %scan3A_37 = arith.constant 0 : i32
      %scan3A_38 = arith.constant 16 : i32
      %scan3A_39 = arith.addi %scan3A_37, %scan3A_38 : i32
      %scan3A_40 = arith.constant 1 : i32
      %scan3A_41 = scf.for %scan3A_44 = %scan3A_37 to %scan3A_39 step %scan3A_40 iter_args(%scan3A_45 = %scan3A_36) -> (i32)  : i32 {
        %rem3A = arith.constant 2 : i32
        %rem3A_46 = arith.remsi %scan3A_44, %rem3A : i32
        %mul3A_47 = arith.constant 8192 : i32
        %mul3A_48 = arith.muli %rem3A_46, %mul3A_47 : i32
        %dma_wait3A = tpu.memref_slice %arg5[%mul3A_48] : memref<16384xi32, #tpu.memory_space<vmem>> -> memref<8192xi32, #tpu.memory_space<vmem>>
        %dma_wait3A_49 = arith.constant 0 : i32
        %dma_wait3A_50 = tpu.memref_slice %arg2[%dma_wait3A_49] : memref<131072xi32, #tpu.memory_space<hbm>> -> memref<8192xi32, #tpu.memory_space<hbm>>
        %dma_wait3A_51 = tpu.memref_slice %arg5[%mul3A_48] : memref<16384xi32, #tpu.memory_space<vmem>> -> memref<8192xi32, #tpu.memory_space<vmem>>
        %dma_wait3A_52 = arith.constant 0 : i32
        %dma_wait3A_53 = tpu.memref_slice %arg2[%dma_wait3A_52] : memref<131072xi32, #tpu.memory_space<hbm>> -> memref<8192xi32, #tpu.memory_space<hbm>>
        tpu.wait_dma2 semaphore(%arg8 : memref<!tpu.dma_semaphore, #tpu.memory_space<semaphore_mem>>) src(%dma_wait3A_53 : memref<8192xi32, #tpu.memory_space<hbm>>) dst(%dma_wait3A_51 : memref<8192xi32, #tpu.memory_space<vmem>>)
        %mul3A_54 = arith.constant 8192 : i32
        %mul3A_55 = arith.muli %rem3A_46, %mul3A_54 : i32
        %dma_wait3A_56 = tpu.memref_slice %arg6[%mul3A_55] : memref<16384xi32, #tpu.memory_space<vmem>> -> memref<8192xi32, #tpu.memory_space<vmem>>
        %dma_wait3A_57 = arith.constant 0 : i32
        %dma_wait3A_58 = tpu.memref_slice %arg3[%dma_wait3A_57] : memref<131072xi32, #tpu.memory_space<hbm>> -> memref<8192xi32, #tpu.memory_space<hbm>>
        %dma_wait3A_59 = tpu.memref_slice %arg6[%mul3A_55] : memref<16384xi32, #tpu.memory_space<vmem>> -> memref<8192xi32, #tpu.memory_space<vmem>>
        %dma_wait3A_60 = arith.constant 0 : i32
        %dma_wait3A_61 = tpu.memref_slice %arg3[%dma_wait3A_60] : memref<131072xi32, #tpu.memory_space<hbm>> -> memref<8192xi32, #tpu.memory_space<hbm>>
        tpu.wait_dma2 semaphore(%arg9 : memref<!tpu.dma_semaphore, #tpu.memory_space<semaphore_mem>>) src(%dma_wait3A_61 : memref<8192xi32, #tpu.memory_space<hbm>>) dst(%dma_wait3A_59 : memref<8192xi32, #tpu.memory_space<vmem>>)
        %add3A_62 = arith.constant 1 : i32
        %add3A_63 = arith.addi %scan3A_44, %add3A_62 : i32
        %lt3A = arith.constant 16 : i32
        %lt3A_64 = arith.cmpi slt, %add3A_63, %lt3A : i32
        %convert_element_type3A = arith.extui %lt3A_64 : i1 to i32
        %cond3A = arith.constant 0 : i32
        %cond3A_65 = arith.cmpi ne, %convert_element_type3A, %cond3A : i32
        scf.if %cond3A_65 {
          %add3A_75 = arith.constant 1 : i32
          %add3A_76 = arith.addi %scan3A_44, %add3A_75 : i32
          %sub3A = arith.constant 1 : i32
          %sub3A_77 = arith.subi %sub3A, %rem3A_46 : i32
          %mul3A_78 = arith.constant 8192 : i32
          %mul3A_79 = arith.muli %add3A_76, %mul3A_78 : i32
          %mul3A_80 = arith.constant 8192 : i32
          %mul3A_81 = arith.muli %sub3A_77, %mul3A_80 : i32
          %dma_start3A_82 = tpu.memref_slice %arg5[%mul3A_81] : memref<16384xi32, #tpu.memory_space<vmem>> -> memref<8192xi32, #tpu.memory_space<vmem>>
          %dma_start3A_83 = tpu.memref_slice %arg2[%mul3A_79] : memref<131072xi32, #tpu.memory_space<hbm>> -> memref<8192xi32, #tpu.memory_space<hbm>>
          %dma_start3A_84 = tpu.memref_slice %arg5[%mul3A_81] : memref<16384xi32, #tpu.memory_space<vmem>> -> memref<8192xi32, #tpu.memory_space<vmem>>
          %dma_start3A_85 = tpu.memref_slice %arg2[%mul3A_79] : memref<131072xi32, #tpu.memory_space<hbm>> -> memref<8192xi32, #tpu.memory_space<hbm>>
          tpu.enqueue_dma source(%dma_start3A_85 : memref<8192xi32, #tpu.memory_space<hbm>>) target(%dma_start3A_84 : memref<8192xi32, #tpu.memory_space<vmem>>) target_semaphore(%arg8 : memref<!tpu.dma_semaphore, #tpu.memory_space<semaphore_mem>>)
          %mul3A_86 = arith.constant 8192 : i32
          %mul3A_87 = arith.muli %sub3A_77, %mul3A_86 : i32
          %dma_start3A_88 = tpu.memref_slice %arg6[%mul3A_87] : memref<16384xi32, #tpu.memory_space<vmem>> -> memref<8192xi32, #tpu.memory_space<vmem>>
          %dma_start3A_89 = tpu.memref_slice %arg3[%mul3A_79] : memref<131072xi32, #tpu.memory_space<hbm>> -> memref<8192xi32, #tpu.memory_space<hbm>>
          %dma_start3A_90 = tpu.memref_slice %arg6[%mul3A_87] : memref<16384xi32, #tpu.memory_space<vmem>> -> memref<8192xi32, #tpu.memory_space<vmem>>
          %dma_start3A_91 = tpu.memref_slice %arg3[%mul3A_79] : memref<131072xi32, #tpu.memory_space<hbm>> -> memref<8192xi32, #tpu.memory_space<hbm>>
          tpu.enqueue_dma source(%dma_start3A_91 : memref<8192xi32, #tpu.memory_space<hbm>>) target(%dma_start3A_90 : memref<8192xi32, #tpu.memory_space<vmem>>) target_semaphore(%arg9 : memref<!tpu.dma_semaphore, #tpu.memory_space<semaphore_mem>>)
        } else {
        }
        %mul3A_66 = arith.constant 8192 : i32
        %mul3A_67 = arith.muli %rem3A_46, %mul3A_66 : i32
        %scan3A_68 = arith.constant 0 : i32
        %scan3A_69 = arith.constant 0 : i32
        %scan3A_70 = arith.constant 64 : i32
        %scan3A_71 = arith.addi %scan3A_69, %scan3A_70 : i32
        %scan3A_72 = arith.constant 1 : i32
        scf.for %scan3A_75 = %scan3A_69 to %scan3A_71 step %scan3A_72  : i32 {
          %mul3A_76 = arith.constant 128 : i32
          %mul3A_77 = arith.muli %scan3A_75, %mul3A_76 : i32
          %add3A_78 = arith.addi %mul3A_67, %mul3A_77 : i32
          %add3A_79 = arith.constant 0 : i32
          %add3A_80 = arith.addi %add3A_78, %add3A_79 : i32
          %get3A = arith.index_cast %add3A_80 : i32 to index
          %get3A_81 = tpu.vector_load %arg5[%get3A] {strides = array<i32>} : memref<16384xi32, #tpu.memory_space<vmem>>, vector<16xi32>,
          %add3A_82 = arith.constant 16 : i32
          %add3A_83 = arith.addi %add3A_78, %add3A_82 : i32
          %get3A_84 = arith.index_cast %add3A_83 : i32 to index
          %get3A_85 = tpu.vector_load %arg5[%get3A_84] {strides = array<i32>} : memref<16384xi32, #tpu.memory_space<vmem>>, vector<16xi32>,
          %add3A_86 = arith.constant 32 : i32
          %add3A_87 = arith.addi %add3A_78, %add3A_86 : i32
          %get3A_88 = arith.index_cast %add3A_87 : i32 to index
          %get3A_89 = tpu.vector_load %arg5[%get3A_88] {strides = array<i32>} : memref<16384xi32, #tpu.memory_space<vmem>>, vector<16xi32>,
          %add3A_90 = arith.constant 48 : i32
          %add3A_91 = arith.addi %add3A_78, %add3A_90 : i32
          %get3A_92 = arith.index_cast %add3A_91 : i32 to index
          %get3A_93 = tpu.vector_load %arg5[%get3A_92] {strides = array<i32>} : memref<16384xi32, #tpu.memory_space<vmem>>, vector<16xi32>,
          %add3A_94 = arith.constant 64 : i32
          %add3A_95 = arith.addi %add3A_78, %add3A_94 : i32
          %get3A_96 = arith.index_cast %add3A_95 : i32 to index
          %get3A_97 = tpu.vector_load %arg5[%get3A_96] {strides = array<i32>} : memref<16384xi32, #tpu.memory_space<vmem>>, vector<16xi32>,
          %add3A_98 = arith.constant 80 : i32
          %add3A_99 = arith.addi %add3A_78, %add3A_98 : i32
          %get3A_100 = arith.index_cast %add3A_99 : i32 to index
          %get3A_101 = tpu.vector_load %arg5[%get3A_100] {strides = array<i32>} : memref<16384xi32, #tpu.memory_space<vmem>>, vector<16xi32>,
          %add3A_102 = arith.constant 96 : i32
          %add3A_103 = arith.addi %add3A_78, %add3A_102 : i32
          %get3A_104 = arith.index_cast %add3A_103 : i32 to index
          %get3A_105 = tpu.vector_load %arg5[%get3A_104] {strides = array<i32>} : memref<16384xi32, #tpu.memory_space<vmem>>, vector<16xi32>,
          %add3A_106 = arith.constant 112 : i32
          %add3A_107 = arith.addi %add3A_78, %add3A_106 : i32
          %get3A_108 = arith.index_cast %add3A_107 : i32 to index
          %get3A_109 = tpu.vector_load %arg5[%get3A_108] {strides = array<i32>} : memref<16384xi32, #tpu.memory_space<vmem>>, vector<16xi32>,
          %add3A_110 = arith.constant 0 : i32
          %add3A_111 = arith.addi %add3A_78, %add3A_110 : i32
          %get3A_112 = arith.index_cast %add3A_111 : i32 to index
          %get3A_113 = tpu.vector_load %arg6[%get3A_112] {strides = array<i32>} : memref<16384xi32, #tpu.memory_space<vmem>>, vector<16xi32>,
          %add3A_114 = arith.constant 16 : i32
          %add3A_115 = arith.addi %add3A_78, %add3A_114 : i32
          %get3A_116 = arith.index_cast %add3A_115 : i32 to index
          %get3A_117 = tpu.vector_load %arg6[%get3A_116] {strides = array<i32>} : memref<16384xi32, #tpu.memory_space<vmem>>, vector<16xi32>,
          %add3A_118 = arith.constant 32 : i32
          %add3A_119 = arith.addi %add3A_78, %add3A_118 : i32
          %get3A_120 = arith.index_cast %add3A_119 : i32 to index
          %get3A_121 = tpu.vector_load %arg6[%get3A_120] {strides = array<i32>} : memref<16384xi32, #tpu.memory_space<vmem>>, vector<16xi32>,
          %add3A_122 = arith.constant 48 : i32
          %add3A_123 = arith.addi %add3A_78, %add3A_122 : i32
          %get3A_124 = arith.index_cast %add3A_123 : i32 to index
          %get3A_125 = tpu.vector_load %arg6[%get3A_124] {strides = array<i32>} : memref<16384xi32, #tpu.memory_space<vmem>>, vector<16xi32>,
          %add3A_126 = arith.constant 64 : i32
          %add3A_127 = arith.addi %add3A_78, %add3A_126 : i32
          %get3A_128 = arith.index_cast %add3A_127 : i32 to index
          %get3A_129 = tpu.vector_load %arg6[%get3A_128] {strides = array<i32>} : memref<16384xi32, #tpu.memory_space<vmem>>, vector<16xi32>,
          %add3A_130 = arith.constant 80 : i32
          %add3A_131 = arith.addi %add3A_78, %add3A_130 : i32
          %get3A_132 = arith.index_cast %add3A_131 : i32 to index
          %get3A_133 = tpu.vector_load %arg6[%get3A_132] {strides = array<i32>} : memref<16384xi32, #tpu.memory_space<vmem>>, vector<16xi32>,
          %add3A_134 = arith.constant 96 : i32
          %add3A_135 = arith.addi %add3A_78, %add3A_134 : i32
          %get3A_136 = arith.index_cast %add3A_135 : i32 to index
          %get3A_137 = tpu.vector_load %arg6[%get3A_136] {strides = array<i32>} : memref<16384xi32, #tpu.memory_space<vmem>>, vector<16xi32>,
          %add3A_138 = arith.constant 112 : i32
          %add3A_139 = arith.addi %add3A_78, %add3A_138 : i32
          %get3A_140 = arith.index_cast %add3A_139 : i32 to index
          %get3A_141 = tpu.vector_load %arg6[%get3A_140] {strides = array<i32>} : memref<16384xi32, #tpu.memory_space<vmem>>, vector<16xi32>,
          %sub3A = vector.broadcast %mul3A_14 : i32 to vector<16xi32>
          %sub3A_142 = arith.subi %get3A_81, %sub3A : vector<16xi32>
          %sub3A_143 = vector.broadcast %mul3A_14 : i32 to vector<16xi32>
          %sub3A_144 = arith.subi %get3A_85, %sub3A_143 : vector<16xi32>
          %sub3A_145 = vector.broadcast %mul3A_14 : i32 to vector<16xi32>
          %sub3A_146 = arith.subi %get3A_89, %sub3A_145 : vector<16xi32>
          %sub3A_147 = vector.broadcast %mul3A_14 : i32 to vector<16xi32>
          %sub3A_148 = arith.subi %get3A_93, %sub3A_147 : vector<16xi32>
          %sub3A_149 = vector.broadcast %mul3A_14 : i32 to vector<16xi32>
          %sub3A_150 = arith.subi %get3A_97, %sub3A_149 : vector<16xi32>
          %sub3A_151 = vector.broadcast %mul3A_14 : i32 to vector<16xi32>
          %sub3A_152 = arith.subi %get3A_101, %sub3A_151 : vector<16xi32>
          %sub3A_153 = vector.broadcast %mul3A_14 : i32 to vector<16xi32>
          %sub3A_154 = arith.subi %get3A_105, %sub3A_153 : vector<16xi32>
          %sub3A_155 = vector.broadcast %mul3A_14 : i32 to vector<16xi32>
          %sub3A_156 = arith.subi %get3A_109, %sub3A_155 : vector<16xi32>
          %and3A = arith.constant 15 : i32
          %and3A_157 = vector.broadcast %and3A : i32 to vector<16xi32>
          %and3A_158 = arith.andi %sub3A_142, %and3A_157 : vector<16xi32>
          %and3A_159 = arith.constant 15 : i32
          %and3A_160 = vector.broadcast %and3A_159 : i32 to vector<16xi32>
          %and3A_161 = arith.andi %sub3A_144, %and3A_160 : vector<16xi32>
          %and3A_162 = arith.constant 15 : i32
          %and3A_163 = vector.broadcast %and3A_162 : i32 to vector<16xi32>
          %and3A_164 = arith.andi %sub3A_146, %and3A_163 : vector<16xi32>
          %and3A_165 = arith.constant 15 : i32
          %and3A_166 = vector.broadcast %and3A_165 : i32 to vector<16xi32>
          %and3A_167 = arith.andi %sub3A_148, %and3A_166 : vector<16xi32>
          %and3A_168 = arith.constant 15 : i32
          %and3A_169 = vector.broadcast %and3A_168 : i32 to vector<16xi32>
          %and3A_170 = arith.andi %sub3A_150, %and3A_169 : vector<16xi32>
          %and3A_171 = arith.constant 15 : i32
          %and3A_172 = vector.broadcast %and3A_171 : i32 to vector<16xi32>
          %and3A_173 = arith.andi %sub3A_152, %and3A_172 : vector<16xi32>
          %and3A_174 = arith.constant 15 : i32
          %and3A_175 = vector.broadcast %and3A_174 : i32 to vector<16xi32>
          %and3A_176 = arith.andi %sub3A_154, %and3A_175 : vector<16xi32>
          %and3A_177 = arith.constant 15 : i32
          %and3A_178 = vector.broadcast %and3A_177 : i32 to vector<16xi32>
          %and3A_179 = arith.andi %sub3A_156, %and3A_178 : vector<16xi32>
          %bitcast3A = vector.bitcast %sub3A_142 : vector<16xi32> to vector<16xi32>
          %lt3A_180 = arith.constant 16 : i32
          %lt3A_181 = vector.broadcast %lt3A_180 : i32 to vector<16xi32>
          %lt3A_182 = arith.cmpi ult, %bitcast3A, %lt3A_181 : vector<16xi32>
          %convert_element_type3A_183 = arith.extui %lt3A_182 : vector<16xi1> to vector<16xi32>
          %convert_element_type3A_184 = arith.sitofp %convert_element_type3A_183 : vector<16xi32> to vector<16xf32>
          %bitcast3A_185 = vector.bitcast %sub3A_144 : vector<16xi32> to vector<16xi32>
          %lt3A_186 = arith.constant 16 : i32
          %lt3A_187 = vector.broadcast %lt3A_186 : i32 to vector<16xi32>
          %lt3A_188 = arith.cmpi ult, %bitcast3A_185, %lt3A_187 : vector<16xi32>
          %convert_element_type3A_189 = arith.extui %lt3A_188 : vector<16xi1> to vector<16xi32>
          %convert_element_type3A_190 = arith.sitofp %convert_element_type3A_189 : vector<16xi32> to vector<16xf32>
          %bitcast3A_191 = vector.bitcast %sub3A_146 : vector<16xi32> to vector<16xi32>
          %lt3A_192 = arith.constant 16 : i32
          %lt3A_193 = vector.broadcast %lt3A_192 : i32 to vector<16xi32>
          %lt3A_194 = arith.cmpi ult, %bitcast3A_191, %lt3A_193 : vector<16xi32>
          %convert_element_type3A_195 = arith.extui %lt3A_194 : vector<16xi1> to vector<16xi32>
          %convert_element_type3A_196 = arith.sitofp %convert_element_type3A_195 : vector<16xi32> to vector<16xf32>
          %bitcast3A_197 = vector.bitcast %sub3A_148 : vector<16xi32> to vector<16xi32>
          %lt3A_198 = arith.constant 16 : i32
          %lt3A_199 = vector.broadcast %lt3A_198 : i32 to vector<16xi32>
          %lt3A_200 = arith.cmpi ult, %bitcast3A_197, %lt3A_199 : vector<16xi32>
          %convert_element_type3A_201 = arith.extui %lt3A_200 : vector<16xi1> to vector<16xi32>
          %convert_element_type3A_202 = arith.sitofp %convert_element_type3A_201 : vector<16xi32> to vector<16xf32>
          %bitcast3A_203 = vector.bitcast %sub3A_150 : vector<16xi32> to vector<16xi32>
          %lt3A_204 = arith.constant 16 : i32
          %lt3A_205 = vector.broadcast %lt3A_204 : i32 to vector<16xi32>
          %lt3A_206 = arith.cmpi ult, %bitcast3A_203, %lt3A_205 : vector<16xi32>
          %convert_element_type3A_207 = arith.extui %lt3A_206 : vector<16xi1> to vector<16xi32>
          %convert_element_type3A_208 = arith.sitofp %convert_element_type3A_207 : vector<16xi32> to vector<16xf32>
          %bitcast3A_209 = vector.bitcast %sub3A_152 : vector<16xi32> to vector<16xi32>
          %lt3A_210 = arith.constant 16 : i32
          %lt3A_211 = vector.broadcast %lt3A_210 : i32 to vector<16xi32>
          %lt3A_212 = arith.cmpi ult, %bitcast3A_209, %lt3A_211 : vector<16xi32>
          %convert_element_type3A_213 = arith.extui %lt3A_212 : vector<16xi1> to vector<16xi32>
          %convert_element_type3A_214 = arith.sitofp %convert_element_type3A_213 : vector<16xi32> to vector<16xf32>
          %bitcast3A_215 = vector.bitcast %sub3A_154 : vector<16xi32> to vector<16xi32>
          %lt3A_216 = arith.constant 16 : i32
          %lt3A_217 = vector.broadcast %lt3A_216 : i32 to vector<16xi32>
          %lt3A_218 = arith.cmpi ult, %bitcast3A_215, %lt3A_217 : vector<16xi32>
          %convert_element_type3A_219 = arith.extui %lt3A_218 : vector<16xi1> to vector<16xi32>
          %convert_element_type3A_220 = arith.sitofp %convert_element_type3A_219 : vector<16xi32> to vector<16xf32>
          %bitcast3A_221 = vector.bitcast %sub3A_156 : vector<16xi32> to vector<16xi32>
          %lt3A_222 = arith.constant 16 : i32
          %lt3A_223 = vector.broadcast %lt3A_222 : i32 to vector<16xi32>
          %lt3A_224 = arith.cmpi ult, %bitcast3A_221, %lt3A_223 : vector<16xi32>
          %convert_element_type3A_225 = arith.extui %lt3A_224 : vector<16xi1> to vector<16xi32>
          %convert_element_type3A_226 = arith.sitofp %convert_element_type3A_225 : vector<16xi32> to vector<16xf32>
          tpu.vector_store_idx %arg7[%and3A_158, %get3A_113], %convert_element_type3A_184 {add = true} : memref<16x4096xf32, #tpu.memory_space<vmem>>[vector<16xi32>, vector<16xi32>], vector<16xf32>,
          tpu.vector_store_idx %arg7[%and3A_161, %get3A_117], %convert_element_type3A_190 {add = true} : memref<16x4096xf32, #tpu.memory_space<vmem>>[vector<16xi32>, vector<16xi32>], vector<16xf32>,
          tpu.vector_store_idx %arg7[%and3A_164, %get3A_121], %convert_element_type3A_196 {add = true} : memref<16x4096xf32, #tpu.memory_space<vmem>>[vector<16xi32>, vector<16xi32>], vector<16xf32>,
          tpu.vector_store_idx %arg7[%and3A_167, %get3A_125], %convert_element_type3A_202 {add = true} : memref<16x4096xf32, #tpu.memory_space<vmem>>[vector<16xi32>, vector<16xi32>], vector<16xf32>,
          tpu.vector_store_idx %arg7[%and3A_170, %get3A_129], %convert_element_type3A_208 {add = true} : memref<16x4096xf32, #tpu.memory_space<vmem>>[vector<16xi32>, vector<16xi32>], vector<16xf32>,
          tpu.vector_store_idx %arg7[%and3A_173, %get3A_133], %convert_element_type3A_214 {add = true} : memref<16x4096xf32, #tpu.memory_space<vmem>>[vector<16xi32>, vector<16xi32>], vector<16xf32>,
          tpu.vector_store_idx %arg7[%and3A_176, %get3A_137], %convert_element_type3A_220 {add = true} : memref<16x4096xf32, #tpu.memory_space<vmem>>[vector<16xi32>, vector<16xi32>], vector<16xf32>,
          tpu.vector_store_idx %arg7[%and3A_179, %get3A_141], %convert_element_type3A_226 {add = true} : memref<16x4096xf32, #tpu.memory_space<vmem>>[vector<16xi32>, vector<16xi32>], vector<16xf32>,
        }
        %scan3A_73 = arith.constant 64 : i32
        %scan3A_74 = arith.constant 0 : i32
        scf.yield %scan3A_74 : i32
      }
      %scan3A_42 = arith.constant 16 : i32
      "tpu.region"() ({
        %run_scoped3A = tpu.sem_alloc : memref<!tpu.dma_semaphore, #tpu.memory_space<semaphore_mem>>
        %dma_start3A_44 = arith.constant 0 : i32
        %dma_start3A_45 = tpu.memref_slice %arg4[%mul3A_14, %dma_start3A_44] : memref<4096x4096xf32, #tpu.memory_space<hbm>> -> memref<16x4096xf32, #tpu.memory_space<hbm>>
        %dma_start3A_46 = arith.constant 0 : i32
        %dma_start3A_47 = tpu.memref_slice %arg4[%mul3A_14, %dma_start3A_46] : memref<4096x4096xf32, #tpu.memory_space<hbm>> -> memref<16x4096xf32, #tpu.memory_space<hbm>>
        tpu.enqueue_dma source(%arg7 : memref<16x4096xf32, #tpu.memory_space<vmem>>) target(%dma_start3A_47 : memref<16x4096xf32, #tpu.memory_space<hbm>>) target_semaphore(%run_scoped3A : memref<!tpu.dma_semaphore, #tpu.memory_space<semaphore_mem>>)
        %dma_wait3A = arith.constant 0 : i32
        %dma_wait3A_48 = tpu.memref_slice %arg4[%mul3A_14, %dma_wait3A] : memref<4096x4096xf32, #tpu.memory_space<hbm>> -> memref<16x4096xf32, #tpu.memory_space<hbm>>
        %dma_wait3A_49 = arith.constant 0 : i32
        %dma_wait3A_50 = tpu.memref_slice %arg4[%mul3A_14, %dma_wait3A_49] : memref<4096x4096xf32, #tpu.memory_space<hbm>> -> memref<16x4096xf32, #tpu.memory_space<hbm>>
        tpu.wait_dma2 semaphore(%run_scoped3A : memref<!tpu.dma_semaphore, #tpu.memory_space<semaphore_mem>>) src(%arg7 : memref<16x4096xf32, #tpu.memory_space<vmem>>) dst(%dma_wait3A_50 : memref<16x4096xf32, #tpu.memory_space<hbm>>)
        tpu.yield
      }) : () -> ()
      %scan3A_43 = arith.constant 0 : i32
      scf.yield %scan3A_43 : i32
    }
    %scan3A_7 = arith.constant 8 : i32
    return
  }
}

module attributes {stable_mosaic.version = 14 : i64} {
  func.func @_conv_body(%arg0: i32, %arg1: memref<32x8x8x64xf32, #tpu.memory_space<vmem>>, %arg2: memref<576x128xbf16, #tpu.memory_space<vmem>>, %arg3: memref<32x4096xf32, #tpu.memory_space<vmem>>, %arg4: memref<32x4096xbf16, #tpu.memory_space<vmem>>) attributes {dimension_semantics = [#tpu.dimension_semantics<arbitrary>], iteration_bounds = array<i64: 128>, scalar_prefetch = 0 : i64, scratch_operands = 0 : i64, tpu.core_type = #tpu.core_type<tc>, window_params = [{transform_indices = @transform_0, window_bounds = array<i64: 32, 8, 8, 64>}, {pipeline_mode = #tpu.pipeline_mode<synchronous>, transform_indices = @transform_1, window_bounds = array<i64: 576, 128>}, {transform_indices = @transform_2, window_bounds = array<i64: 32, 4096>}, {transform_indices = @transform_3, window_bounds = array<i64: 32, 4096>}]} {
    %get3A = arith.constant 0 : index
    %get3A_0 = arith.constant 0 : index
    %get3A_1 = arith.constant 0 : index
    %get3A_2 = arith.constant 0 : index
    %get3A_3 = vector.load %arg1[%get3A, %get3A_0, %get3A_1, %get3A_2] : memref<32x8x8x64xf32, #tpu.memory_space<vmem>>, vector<32x8x8x64xf32>
    %jit3A = arith.constant 0 : i32
    %convert_element_type3A = arith.sitofp %jit3A : i32 to f32
    %pad3A = vector.broadcast %convert_element_type3A : f32 to vector<32x1x8x64xf32>
    %pad3A_4 = tpu.concatenate %pad3A, %get3A_3 in 1 : vector<32x1x8x64xf32>, vector<32x8x8x64xf32> -> vector<32x9x8x64xf32>
    %pad3A_5 = vector.broadcast %convert_element_type3A : f32 to vector<32x1x8x64xf32>
    %pad3A_6 = tpu.concatenate %pad3A_4, %pad3A_5 in 1 : vector<32x9x8x64xf32>, vector<32x1x8x64xf32> -> vector<32x10x8x64xf32>
    %pad3A_7 = vector.broadcast %convert_element_type3A : f32 to vector<32x10x1x64xf32>
    %pad3A_8 = tpu.concatenate %pad3A_7, %pad3A_6 in 2 : vector<32x10x1x64xf32>, vector<32x10x8x64xf32> -> vector<32x10x9x64xf32>
    %pad3A_9 = vector.broadcast %convert_element_type3A : f32 to vector<32x10x1x64xf32>
    %pad3A_10 = tpu.concatenate %pad3A_8, %pad3A_9 in 2 : vector<32x10x9x64xf32>, vector<32x10x1x64xf32> -> vector<32x10x10x64xf32>
    %slice3A = vector.extract_strided_slice %pad3A_10 {offsets = [0, 0, 0, 0], sizes = [32, 8, 8, 64], strides = [1, 1, 1, 1]} : vector<32x10x10x64xf32> to vector<32x8x8x64xf32>
    %reshape3A = vector.shape_cast %slice3A : vector<32x8x8x64xf32> to vector<2048x64xf32>
    %slice3A_11 = vector.extract_strided_slice %pad3A_10 {offsets = [0, 0, 1, 0], sizes = [32, 8, 8, 64], strides = [1, 1, 1, 1]} : vector<32x10x10x64xf32> to vector<32x8x8x64xf32>
    %reshape3A_12 = vector.shape_cast %slice3A_11 : vector<32x8x8x64xf32> to vector<2048x64xf32>
    %slice3A_13 = vector.extract_strided_slice %pad3A_10 {offsets = [0, 0, 2, 0], sizes = [32, 8, 8, 64], strides = [1, 1, 1, 1]} : vector<32x10x10x64xf32> to vector<32x8x8x64xf32>
    %reshape3A_14 = vector.shape_cast %slice3A_13 : vector<32x8x8x64xf32> to vector<2048x64xf32>
    %slice3A_15 = vector.extract_strided_slice %pad3A_10 {offsets = [0, 1, 0, 0], sizes = [32, 8, 8, 64], strides = [1, 1, 1, 1]} : vector<32x10x10x64xf32> to vector<32x8x8x64xf32>
    %reshape3A_16 = vector.shape_cast %slice3A_15 : vector<32x8x8x64xf32> to vector<2048x64xf32>
    %slice3A_17 = vector.extract_strided_slice %pad3A_10 {offsets = [0, 1, 1, 0], sizes = [32, 8, 8, 64], strides = [1, 1, 1, 1]} : vector<32x10x10x64xf32> to vector<32x8x8x64xf32>
    %reshape3A_18 = vector.shape_cast %slice3A_17 : vector<32x8x8x64xf32> to vector<2048x64xf32>
    %slice3A_19 = vector.extract_strided_slice %pad3A_10 {offsets = [0, 1, 2, 0], sizes = [32, 8, 8, 64], strides = [1, 1, 1, 1]} : vector<32x10x10x64xf32> to vector<32x8x8x64xf32>
    %reshape3A_20 = vector.shape_cast %slice3A_19 : vector<32x8x8x64xf32> to vector<2048x64xf32>
    %slice3A_21 = vector.extract_strided_slice %pad3A_10 {offsets = [0, 2, 0, 0], sizes = [32, 8, 8, 64], strides = [1, 1, 1, 1]} : vector<32x10x10x64xf32> to vector<32x8x8x64xf32>
    %reshape3A_22 = vector.shape_cast %slice3A_21 : vector<32x8x8x64xf32> to vector<2048x64xf32>
    %slice3A_23 = vector.extract_strided_slice %pad3A_10 {offsets = [0, 2, 1, 0], sizes = [32, 8, 8, 64], strides = [1, 1, 1, 1]} : vector<32x10x10x64xf32> to vector<32x8x8x64xf32>
    %reshape3A_24 = vector.shape_cast %slice3A_23 : vector<32x8x8x64xf32> to vector<2048x64xf32>
    %slice3A_25 = vector.extract_strided_slice %pad3A_10 {offsets = [0, 2, 2, 0], sizes = [32, 8, 8, 64], strides = [1, 1, 1, 1]} : vector<32x10x10x64xf32> to vector<32x8x8x64xf32>
    %reshape3A_26 = vector.shape_cast %slice3A_25 : vector<32x8x8x64xf32> to vector<2048x64xf32>
    %concatenate3A = tpu.concatenate %reshape3A, %reshape3A_12, %reshape3A_14, %reshape3A_16, %reshape3A_18, %reshape3A_20, %reshape3A_22, %reshape3A_24, %reshape3A_26 in 1 : vector<2048x64xf32>, vector<2048x64xf32>, vector<2048x64xf32>, vector<2048x64xf32>, vector<2048x64xf32>, vector<2048x64xf32>, vector<2048x64xf32>, vector<2048x64xf32>, vector<2048x64xf32> -> vector<2048x576xf32>
    %convert_element_type3A_27 = arith.truncf %concatenate3A : vector<2048x576xf32> to vector<2048x576xbf16>
    %get3A_28 = arith.constant 0 : index
    %get3A_29 = arith.constant 0 : index
    %get3A_30 = vector.load %arg2[%get3A_28, %get3A_29] : memref<576x128xbf16, #tpu.memory_space<vmem>>, vector<576x128xbf16>
    %dot_general3A = arith.constant dense<0.000000e+00> : vector<2048x128xf32>
    %dot_general3A_31 = tpu.matmul %convert_element_type3A_27, %get3A_30, %dot_general3A {dimension_numbers = #tpu.dot_dimension_numbers<[1], [0], [0], [1], [0, 0, 1, 1], [], []>, transpose_lhs_hint = false} : vector<2048x576xbf16>, vector<576x128xbf16>, vector<2048x128xf32> -> vector<2048x128xf32>
    %reshape3A_32 = vector.shape_cast %dot_general3A_31 : vector<2048x128xf32> to vector<32x64x128xf32>
    %slice3A_33 = vector.extract_strided_slice %reshape3A_32 {offsets = [0, 0, 0], sizes = [32, 64, 64], strides = [1, 1, 1]} : vector<32x64x128xf32> to vector<32x64x64xf32>
    %reshape3A_34 = vector.shape_cast %slice3A_33 : vector<32x64x64xf32> to vector<32x4096xf32>
    %swap3A = arith.constant 0 : index
    %swap3A_35 = arith.constant 0 : index
    %swap3A_36 = vector.load %arg3[%swap3A, %swap3A_35] : memref<32x4096xf32, #tpu.memory_space<vmem>>, vector<32x4096xf32>
    tpu.vector_store %arg3[%swap3A, %swap3A_35], %reshape3A_34 {strides = array<i32>} : memref<32x4096xf32, #tpu.memory_space<vmem>>, vector<32x4096xf32>,
    %slice3A_37 = vector.extract_strided_slice %reshape3A_32 {offsets = [0, 0, 64], sizes = [32, 64, 64], strides = [1, 1, 1]} : vector<32x64x128xf32> to vector<32x64x64xf32>
    %reshape3A_38 = vector.shape_cast %slice3A_37 : vector<32x64x64xf32> to vector<32x4096xf32>
    %convert_element_type3A_39 = arith.truncf %reshape3A_38 : vector<32x4096xf32> to vector<32x4096xbf16>
    %swap3A_40 = arith.constant 0 : index
    %swap3A_41 = arith.constant 0 : index
    %swap3A_42 = vector.load %arg4[%swap3A_40, %swap3A_41] : memref<32x4096xbf16, #tpu.memory_space<vmem>>, vector<32x4096xbf16>
    tpu.vector_store %arg4[%swap3A_40, %swap3A_41], %convert_element_type3A_39 {strides = array<i32>} : memref<32x4096xbf16, #tpu.memory_space<vmem>>, vector<32x4096xbf16>,
    return
  }
  func.func @transform_0(%arg0: i32) -> (i32, i32, i32, i32) {
    %c0_i32 = arith.constant 0 : i32
    %c0_i32_0 = arith.constant 0 : i32
    %c0_i32_1 = arith.constant 0 : i32
    %c0_i32_2 = arith.constant 0 : i32
    return %arg0, %c0_i32, %c0_i32_0, %c0_i32_1 : i32, i32, i32, i32
  }
  func.func @transform_1(%arg0: i32) -> (i32, i32) {
    %c0_i32 = arith.constant 0 : i32
    %c0_i32_0 = arith.constant 0 : i32
    %c0_i32_1 = arith.constant 0 : i32
    return %c0_i32, %c0_i32_0 : i32, i32
  }
  func.func @transform_2(%arg0: i32) -> (i32, i32) {
    %c0_i32 = arith.constant 0 : i32
    %c0_i32_0 = arith.constant 0 : i32
    return %arg0, %c0_i32 : i32, i32
  }
  func.func @transform_3(%arg0: i32) -> (i32, i32) {
    %c0_i32 = arith.constant 0 : i32
    %c0_i32_0 = arith.constant 0 : i32
    return %arg0, %c0_i32 : i32, i32
  }
}

module attributes {stable_mosaic.version = 14 : i64} {
  func.func @_agg_body(%arg0: i32, %arg1: i32, %arg2: memref<128x1024xf32, #tpu.memory_space<vmem>>, %arg3: memref<1024x4096xbf16, #tpu.memory_space<vmem>>, %arg4: memref<128x4096xf32, #tpu.memory_space<vmem>>, %arg5: memref<1x4096xf32, #tpu.memory_space<vmem>>, %arg6: memref<1x4096xf32, #tpu.memory_space<vmem>>, %arg7: memref<128x4096xf32, #tpu.memory_space<vmem>>, %arg8: memref<128x4096xf32, #tpu.memory_space<vmem>>, %arg9: memref<128x1xf32, #tpu.memory_space<vmem>>) attributes {dimension_semantics = [#tpu.dimension_semantics<arbitrary>, #tpu.dimension_semantics<arbitrary>], iteration_bounds = array<i64: 32, 4>, scalar_prefetch = 0 : i64, scratch_operands = 2 : i64, tpu.core_type = #tpu.core_type<tc>, window_params = [{transform_indices = @transform_0, window_bounds = array<i64: 128, 1024>}, {transform_indices = @transform_1, window_bounds = array<i64: 1024, 4096>}, {transform_indices = @transform_2, window_bounds = array<i64: 128, 4096>}, {pipeline_mode = #tpu.pipeline_mode<synchronous>, transform_indices = @transform_3, window_bounds = array<i64: 1, 4096>}, {pipeline_mode = #tpu.pipeline_mode<synchronous>, transform_indices = @transform_4, window_bounds = array<i64: 1, 4096>}, {transform_indices = @transform_5, window_bounds = array<i64: 128, 4096>}]} {
    %eq3A = arith.constant 0 : i32
    %eq3A_0 = arith.cmpi eq, %arg1, %eq3A : i32
    %convert_element_type3A = arith.extui %eq3A_0 : i1 to i32
    %cond3A = arith.constant 0 : i32
    %cond3A_1 = arith.cmpi ne, %convert_element_type3A, %cond3A : i32
    scf.if %cond3A_1 {
      %broadcast_in_dim3A_27 = arith.constant 0.000000e+00 : f32
      %broadcast_in_dim3A_28 = vector.broadcast %broadcast_in_dim3A_27 : f32 to vector<128x4096xf32>
      %swap3A_29 = arith.constant 0 : index
      %swap3A_30 = arith.constant 0 : index
      %swap3A_31 = vector.load %arg8[%swap3A_29, %swap3A_30] : memref<128x4096xf32, #tpu.memory_space<vmem>>, vector<128x4096xf32>
      tpu.vector_store %arg8[%swap3A_29, %swap3A_30], %broadcast_in_dim3A_28 {strides = array<i32>} : memref<128x4096xf32, #tpu.memory_space<vmem>>, vector<128x4096xf32>,
      %broadcast_in_dim3A_32 = arith.constant 0.000000e+00 : f32
      %broadcast_in_dim3A_33 = vector.broadcast %broadcast_in_dim3A_32 : f32 to vector<128x1xf32>
      %swap3A_34 = arith.constant 0 : index
      %swap3A_35 = arith.constant 0 : index
      %swap3A_36 = vector.load %arg9[%swap3A_34, %swap3A_35] : memref<128x1xf32, #tpu.memory_space<vmem>>, vector<128x1xf32>
      tpu.vector_store %arg9[%swap3A_34, %swap3A_35], %broadcast_in_dim3A_33 {strides = array<i32>} : memref<128x1xf32, #tpu.memory_space<vmem>>, vector<128x1xf32>,
    } else {
    }
    %get3A = arith.constant 0 : index
    %get3A_2 = arith.constant 0 : index
    %get3A_3 = vector.load %arg2[%get3A, %get3A_2] : memref<128x1024xf32, #tpu.memory_space<vmem>>, vector<128x1024xf32>
    %convert_element_type3A_4 = arith.truncf %get3A_3 : vector<128x1024xf32> to vector<128x1024xbf16>
    %get3A_5 = arith.constant 0 : index
    %get3A_6 = arith.constant 0 : index
    %get3A_7 = vector.load %arg8[%get3A_5, %get3A_6] : memref<128x4096xf32, #tpu.memory_space<vmem>>, vector<128x4096xf32>
    %get3A_8 = arith.constant 0 : index
    %get3A_9 = arith.constant 0 : index
    %get3A_10 = vector.load %arg3[%get3A_8, %get3A_9] : memref<1024x4096xbf16, #tpu.memory_space<vmem>>, vector<1024x4096xbf16>
    %dot_general3A = arith.constant dense<0.000000e+00> : vector<128x4096xf32>
    %dot_general3A_11 = tpu.matmul %convert_element_type3A_4, %get3A_10, %dot_general3A {dimension_numbers = #tpu.dot_dimension_numbers<[1], [0], [0], [1], [0, 0, 1, 1], [], []>, transpose_lhs_hint = false} : vector<128x1024xbf16>, vector<1024x4096xbf16>, vector<128x4096xf32> -> vector<128x4096xf32>
    %add3A = arith.addf %get3A_7, %dot_general3A_11 : vector<128x4096xf32>
    %swap3A = arith.constant 0 : index
    %swap3A_12 = arith.constant 0 : index
    %swap3A_13 = vector.load %arg8[%swap3A, %swap3A_12] : memref<128x4096xf32, #tpu.memory_space<vmem>>, vector<128x4096xf32>
    tpu.vector_store %arg8[%swap3A, %swap3A_12], %add3A {strides = array<i32>} : memref<128x4096xf32, #tpu.memory_space<vmem>>, vector<128x4096xf32>,
    %get3A_14 = arith.constant 0 : index
    %get3A_15 = arith.constant 0 : index
    %get3A_16 = vector.load %arg9[%get3A_14, %get3A_15] : memref<128x1xf32, #tpu.memory_space<vmem>>, vector<128x1xf32>
    %reduce_sum3A = arith.constant dense<0.000000e+00> : vector<128xf32>
    %reduce_sum3A_17 = vector.multi_reduction <add>, %get3A_3, %reduce_sum3A [1] : vector<128x1024xf32> to vector<128xf32>
    %broadcast_in_dim3A = vector.shape_cast %reduce_sum3A_17 : vector<128xf32> to vector<128x1xf32>
    %add3A_18 = arith.addf %get3A_16, %broadcast_in_dim3A : vector<128x1xf32>
    %swap3A_19 = arith.constant 0 : index
    %swap3A_20 = arith.constant 0 : index
    %swap3A_21 = vector.load %arg9[%swap3A_19, %swap3A_20] : memref<128x1xf32, #tpu.memory_space<vmem>>, vector<128x1xf32>
    tpu.vector_store %arg9[%swap3A_19, %swap3A_20], %add3A_18 {strides = array<i32>} : memref<128x1xf32, #tpu.memory_space<vmem>>, vector<128x1xf32>,
    %eq3A_22 = arith.constant 3 : i32
    %eq3A_23 = arith.cmpi eq, %arg1, %eq3A_22 : i32
    %convert_element_type3A_24 = arith.extui %eq3A_23 : i1 to i32
    %cond3A_25 = arith.constant 0 : i32
    %cond3A_26 = arith.cmpi ne, %convert_element_type3A_24, %cond3A_25 : i32
    scf.if %cond3A_26 {
      %get3A_27 = arith.constant 0 : index
      %get3A_28 = arith.constant 0 : index
      %get3A_29 = vector.load %arg9[%get3A_27, %get3A_28] : memref<128x1xf32, #tpu.memory_space<vmem>>, vector<128x1xf32>
      %max3A = arith.constant 1.000000e+00 : f32
      %max3A_30 = vector.broadcast %max3A : f32 to vector<128x1xf32>
      %max3A_31 = arith.maximumf %get3A_29, %max3A_30 : vector<128x1xf32>
      %get3A_32 = arith.constant 0 : index
      %get3A_33 = arith.constant 0 : index
      %get3A_34 = vector.load %arg4[%get3A_32, %get3A_33] : memref<128x4096xf32, #tpu.memory_space<vmem>>, vector<128x4096xf32>
      %get3A_35 = arith.constant 0 : index
      %get3A_36 = arith.constant 0 : index
      %get3A_37 = vector.load %arg5[%get3A_35, %get3A_36] : memref<1x4096xf32, #tpu.memory_space<vmem>>, vector<1x4096xf32>
      %add3A_38 = vector.broadcast %get3A_37 : vector<1x4096xf32> to vector<128x4096xf32>
      %add3A_39 = arith.addf %get3A_34, %add3A_38 : vector<128x4096xf32>
      %get3A_40 = arith.constant 0 : index
      %get3A_41 = arith.constant 0 : index
      %get3A_42 = vector.load %arg8[%get3A_40, %get3A_41] : memref<128x4096xf32, #tpu.memory_space<vmem>>, vector<128x4096xf32>
      %div3A = vector.broadcast %max3A_31 : vector<128x1xf32> to vector<128x4096xf32>
      %div3A_43 = arith.divf %get3A_42, %div3A : vector<128x4096xf32>
      %add3A_44 = arith.addf %add3A_39, %div3A_43 : vector<128x4096xf32>
      %get3A_45 = arith.constant 0 : index
      %get3A_46 = arith.constant 0 : index
      %get3A_47 = vector.load %arg6[%get3A_45, %get3A_46] : memref<1x4096xf32, #tpu.memory_space<vmem>>, vector<1x4096xf32>
      %add3A_48 = vector.broadcast %get3A_47 : vector<1x4096xf32> to vector<128x4096xf32>
      %add3A_49 = arith.addf %add3A_44, %add3A_48 : vector<128x4096xf32>
      %max3A_50 = arith.constant 0.000000e+00 : f32
      %max3A_51 = vector.broadcast %max3A_50 : f32 to vector<128x4096xf32>
      %max3A_52 = arith.maximumf %add3A_49, %max3A_51 : vector<128x4096xf32>
      %swap3A_53 = arith.constant 0 : index
      %swap3A_54 = arith.constant 0 : index
      %swap3A_55 = vector.load %arg7[%swap3A_53, %swap3A_54] : memref<128x4096xf32, #tpu.memory_space<vmem>>, vector<128x4096xf32>
      tpu.vector_store %arg7[%swap3A_53, %swap3A_54], %max3A_52 {strides = array<i32>} : memref<128x4096xf32, #tpu.memory_space<vmem>>, vector<128x4096xf32>,
    } else {
    }
    return
  }
  func.func @transform_0(%arg0: i32, %arg1: i32) -> (i32, i32) {
    %c0_i32 = arith.constant 0 : i32
    return %arg0, %arg1 : i32, i32
  }
  func.func @transform_1(%arg0: i32, %arg1: i32) -> (i32, i32) {
    %c0_i32 = arith.constant 0 : i32
    %c0_i32_0 = arith.constant 0 : i32
    return %arg1, %c0_i32 : i32, i32
  }
  func.func @transform_2(%arg0: i32, %arg1: i32) -> (i32, i32) {
    %c0_i32 = arith.constant 0 : i32
    %c0_i32_0 = arith.constant 0 : i32
    return %arg0, %c0_i32 : i32, i32
  }
  func.func @transform_3(%arg0: i32, %arg1: i32) -> (i32, i32) {
    %c0_i32 = arith.constant 0 : i32
    %c0_i32_0 = arith.constant 0 : i32
    %c0_i32_1 = arith.constant 0 : i32
    return %c0_i32, %c0_i32_0 : i32, i32
  }
  func.func @transform_4(%arg0: i32, %arg1: i32) -> (i32, i32) {
    %c0_i32 = arith.constant 0 : i32
    %c0_i32_0 = arith.constant 0 : i32
    %c0_i32_1 = arith.constant 0 : i32
    return %c0_i32, %c0_i32_0 : i32, i32
  }
  func.func @transform_5(%arg0: i32, %arg1: i32) -> (i32, i32) {
    %c0_i32 = arith.constant 0 : i32
    %c0_i32_0 = arith.constant 0 : i32
    return %arg0, %c0_i32 : i32, i32
  }
}

</mosaic_0001>

<sc_bundles>
// kernel: kernel.5.cloned.1.call-start
scs
__scs_entry_jumppad:
0x0: {  	(pc) =	sbr.rel $0x88, $3  }
0x1: {  	(tag) =	ssettag $0x0;
	lr =	simm.s32 $0x1  }
0x2: {  	[smem:$0x3F9B] =	sst lr;
	_ =	strace $0xD0000000  }
0x3: {  	_ = 	snop  }
0x4: {  	_ = 	snop  }
0x5: {  	_ = 	snop  }
0x6: {  	_ = 	snop  }
0x7: {  	_ = 	snop  }
__scs_overlays_trampoline_lowered:
0x8: {  	[smem:$0x3FAA] =	sst s0  }
0x9: {  	[smem:$0x3FAB] =	sst s1  }
0xa: {  	[smem:$0x3FAC] =	sst s2  }
0xb: {  	[smem:$0x3FAD] =	sst s3  }
0xc: {  	[smem:$0x3FAE] =	sst s4  }
0xd: {  	[smem:$0x3FAF] =	sst s5  }
0xe: {  	[smem:$0x3FB0] =	sst s6  }
0xf: {  	[smem:$0x3FB1] =	sst s7  }
0x10: {  	[smem:$0x3FB2] =	sst s8  }
0x11: {  	[smem:$0x3FB3] =	sst s9;
	s0 =	simm.s32 @!p0 $0x0  }
0x12: {  	s1 =	sld [smem:$0x3F99];
	s0 =	simm.s32 @p0 $0x1  }
0x13: {  	[smem:$0x3FB4] =	sst s0;
	s0 =	simm.s32 @!p1 $0x0  }
0x14: {  	s2 =	sld [smem:$0x3F98];
	s0 =	simm.s32 @p1 $0x1  }
0x15: {  	[smem:$0x3FB5] =	sst s0;
	s0 =	simm.s32 @!p2 $0x0  }
0x16: {  	s3 =	sld [smem:$0x3FDB];
	s0 =	simm.s32 @p2 $0x1  }
0x17: {  	s4 =	simm.s32 $0x1BF5;
	[smem:$0x3FB7] =	sst s0  }
0x18: {  	s0 =	sld [smem:$0x3F9A];
	_ =	swait.ge [sflag:s4], $0x0  }
0x19: {  	s7 =	sld [smem:$0x3F9B]  }
0x1a: {  	s8 =	sadd.s32 $0xFFFFE003, lr  }
0x1b: {  	s9 =	sadd.s32 $0xFFFFFEF7, lr;
	s5 =	simm.s32 $0xFFFFFFFF;
	p2 =	slt.u32 s8, $0xFFFFF086  }
0x1c: {  	p1 =	slt.u32 s9, $0xF7A;
	s5 =	simm.s32 @!p2 $0x0  }
0x1d: {  	s5 =	simm.s32 @p1 $0x1;
	p0 =	seq.s32 s7, s2  }
0x1e: {  	s7 =	smul.u32 @!p0 $0xF7A, s2;
	p2 =	seq.s32 @!p0 s5, $0x0  }
0x1f: {  	s9 =	smul.u32 $0xF7A, s1;
	s8 =	simm.s32 @!p0 $0x1BF5;
	p2 =	por !p2, p0  }
0x20: {  	[sflag:s8] =	ssyncset.s32 @!p0 $0xFFFFF086;
	s6 =	sadd.s32 @!p0 s3, s7;
	s7 =	simm.s32 @!p0 $0x108  }
0x21: {  	s3 =	sadd.s32 s3, s9;
	s6 =	sadd.s32 @!p0 $0x88, s6;
	s7 =	simm.s32 @p2 $0x1082  }
0x22: {  	[simem:s7], [sflag:s8] =	dma.local @!p0 [hbm:s6], $0xF7A  }
0x23: {  	s9 =	sor.u32 $0xD0000000, s2;
	s6 =	simm.s32 $0x108;
	_ =	swait.ge @!p0 [sflag:s8], $0x0  }
0x24: {  	s3 =	sadd.s32 $0x88, s3;
	s6 =	simm.s32 @!p1 $0x1082;
	[sflag:s4] =	ssyncset.s32 $0xFFFFF086  }
0x25: {  	[simem:s6], [sflag:s4] =	dma.local [hbm:s3], $0xF7A  }
0x26: {  	[smem:$0x3F9B] =	sst s1;
	(tag) =	ssettag s2;
	_ =	strace s9  }
0x27: {  	s1 =	sld [smem:$0x3FAB]  }
0x28: {  	s2 =	sld [smem:$0x3FAC]  }
0x29: {  	s4 =	sld [smem:$0x3FAE]  }
0x2a: {  	p0 =	seq.s32 s5, $0x0;
	s5 =	sld [smem:$0x3FAF]  }
0x2b: {  	s6 =	sld [smem:$0x3FB0]  }
0x2c: {  	s7 =	sld [smem:$0x3FB1]  }
0x2d: {  	s3 =	simm.s32 $0x108;
	s8 =	sld [smem:$0x3FB2]  }
0x2e: {  	s3 =	simm.s32 @!p0 $0x1082;
	s9 =	sld [smem:$0x3FB3]  }
0x2f: {  	lr =	sadd.s32 s0, s3;
	s0 =	sld [smem:$0x3FAA]  }
0x30: {  	s3 =	sld [smem:$0x3FAD]  }
0x31: {  	[smem:$0x3FB6] =	sst s10  }
0x32: {  	s10 =	sld [smem:$0x3FB4];
	_ =	sdelay $0x3  }
0x33: {  	p0 =	seq.s32 s10, $0x1;
	s10 =	sld [smem:$0x3FB6];
	_ =	sdelay $0x3  }
0x34: {  	[smem:$0x3FB6] =	sst s10  }
0x35: {  	s10 =	sld [smem:$0x3FB5];
	_ =	sdelay $0x3  }
0x36: {  	p1 =	seq.s32 s10, $0x1;
	s10 =	sld [smem:$0x3FB6];
	_ =	sdelay $0x3  }
0x37: {  	[smem:$0x3FB6] =	sst s10  }
0x38: {  	s10 =	sld [smem:$0x3FB7]  }
0x39: {  	_ = 	snop;
	(pc) =	sbr.ind lr, $3  }
0x3a: {  	_ = 	snop  }
0x3b: {  	_ = 	snop  }
0x3c: {  	p2 =	seq.s32 s10, $0x1;
	s10 =	sld [smem:$0x3FB6]  }
0x3d: {  	_ =	shalt  }
0x3e: {  	_ =	shalt  }
0x3f: {  	_ =	shalt  }
0x40: {  	_ =	shalt  }
0x41: {  	_ =	shalt  }
0x42: {  	_ =	shalt  }
0x43: {  	_ =	shalt  }
0x44: {  	_ =	shalt  }
0x45: {  	_ =	shalt  }
0x46: {  	_ =	shalt  }
0x47: {  	_ =	shalt  }
0x48: {  	_ =	shalt  }
0x49: {  	_ =	shalt  }
0x4a: {  	_ =	shalt  }
0x4b: {  	_ =	shalt  }
0x4c: {  	_ =	shalt  }
0x4d: {  	_ =	shalt  }
0x4e: {  	_ =	shalt  }
0x4f: {  	_ =	shalt  }
0x50: {  	_ =	shalt  }
0x51: {  	_ =	shalt  }
0x52: {  	_ =	shalt  }
0x53: {  	_ =	shalt  }
0x54: {  	_ =	shalt  }
0x55: {  	_ =	shalt  }
0x56: {  	_ =	shalt  }
0x57: {  	_ =	shalt  }
0x58: {  	_ =	shalt  }
0x59: {  	_ =	shalt  }
0x5a: {  	_ =	shalt  }
0x5b: {  	_ =	shalt  }
0x5c: {  	_ =	shalt  }
0x5d: {  	_ =	shalt  }
0x5e: {  	_ =	shalt  }
0x5f: {  	_ =	shalt  }
0x60: {  	_ =	shalt  }
0x61: {  	_ =	shalt  }
0x62: {  	_ =	shalt  }
0x63: {  	_ =	shalt  }
0x64: {  	_ =	shalt  }
0x65: {  	_ =	shalt  }
0x66: {  	_ =	shalt  }
0x67: {  	_ =	shalt  }
0x68: {  	_ =	shalt  }
0x69: {  	_ =	shalt  }
0x6a: {  	_ =	shalt  }
0x6b: {  	_ =	shalt  }
0x6c: {  	_ =	shalt  }
0x6d: {  	_ =	shalt  }
0x6e: {  	_ =	shalt  }
0x6f: {  	_ =	shalt  }
0x70: {  	_ =	shalt  }
0x71: {  	_ =	shalt  }
0x72: {  	_ =	shalt  }
0x73: {  	_ =	shalt  }
0x74: {  	_ =	shalt  }
0x75: {  	_ =	shalt  }
0x76: {  	_ =	shalt  }
0x77: {  	_ =	shalt  }
0x78: {  	_ =	shalt  }
0x79: {  	_ =	shalt  }
0x7a: {  	_ =	shalt  }
0x7b: {  	_ =	shalt  }
0x7c: {  	_ =	shalt  }
0x7d: {  	_ =	shalt  }
0x7e: {  	_ =	shalt  }
0x7f: {  	_ =	shalt  }
0x80: {  	_ =	shalt  }
0x81: {  	_ =	shalt  }
0x82: {  	_ =	shalt  }
0x83: {  	_ =	shalt  }
0x84: {  	_ =	shalt  }
0x85: {  	_ =	shalt  }
0x86: {  	_ =	shalt  }
0x87: {  	_ =	shalt  }
.Lfunc_end0:
.L_simem_size_0:
called_computation.1_lowered:
.L_overlay_start_0:
0x88: {  	s2 =	sld [smem:$0x3FD9]  }
0x89: {  	s3 =	sld [smem:$0x3FFE];
	_ =	sdelay $0x1  }
0x8a: {  	s1 =	srdreg.scid  }
0x8b: {  	s0 =	sand.u32 $0x1, s1  }
0x8c: {  	s16 =	sshll.u32 s0, $0xA;
	s2 =	sadd.s32 s3, s2  }
0x8d: {  	s2 =	sadd.s32 s2, s16  }
0x8e: {  	[smem:$0x3FC2] =	sst s2  }
0x8f: {  	_ = 	snop  }
0x90: {  	(tm) =	ssettm $0x1  }
0x91: {  	s17 =	sld [smem:$0x3FFB];
	_ =	sdelay $0x3  }
0x92: {  	_ =	strace s17  }
0x93: {  	s2 =	sld [smem:$0x3FFC];
	_ =	sdelay $0x3  }
0x94: {  	_ =	strace s2  }
0x95: {  	s2 =	sld [smem:$0x3FFD];
	_ =	sdelay $0x3  }
0x96: {  	_ =	strace s2  }
0x97: {  	_ =	strace $0x8FFFFFFF  }
0x98: {  	s18 =	sld [smem:$0x3FDB];
	_ =	sdelay $0x1  }
0x99: {  	s19 =	simm.s32 $_scs_section_size  }
0x9a: {  	s4 =	simm.s32 $_size__tile_overlayer_lowered;
	s5 =	simm.s32 $_tile_overlayer_lowered  }
0x9b: {  	s22 =	simm.s32 $0x1BFF;
	s21 =	sshll.u32 s5, $0x1;
	s2 =	sadd.s32 s19, s18  }
0x9c: {  	s6 =	simm.s32 $0x0;
	s20 =	sshll.u32 s4, $0x1;
	s4 =	sadd.s32 s21, s2  }
0x9d: {  	[timem:s6], [sflag:s22] =	dma.local [hbm:s4], s20  }
0x9e: {  	_ =	swait.ge [sflag:s22], s20  }
0x9f: {  	s3 =	ssub.s32 $0x0, s20;
	[sflag:s22] =	ssyncset.done $0x0  }
0xa0: {  	[sflag:s22] =	ssyncadd.s32 s3;
	_ =	sdelay $0x1  }
0xa1: {  	s23 =	simm.s32 $0x1B8B  }
0xa2: {  	_ =	swait.ge [sflag:s23], $0x1  }
0xa3: {  	[sflag:s23] =	ssyncset.done $0x0  }
0xa4: {  	s25 =	simm.s32 $0x1B8E;
	s24 =	sld [smem:$0x3FFE];
	[sflag:s23] =	ssyncadd.s32 $0xFFFFFFFF  }
0xa5: {  	s26 =	simm.s32 $execute0_lowered;
	[smem:$0x3FD2] =	sst s25  }
0xa6: {  	s4 =	sshll.u32 s26, $0x1;
	_ =	strace $0x80000046;
	[dreg:$0x1] =	wrdreg $0xFFFFFFFF  }
0xa7: {  	s28 =	simm.s32 $_size_execute0_lowered;
	s2 =	sadd.s32 s2, s4;
	[dreg:$0x0] =	wrdreg $0x0  }
0xa8: {  	s4 =	sshll.u32 s28, $0x1;
	[dreg:$0x2] =	wrdreg s2  }
0xa9: {  	[dreg:$0x3] =	wrdreg s4  }
0xaa: {  	[dreg:$0x4] =	wrdreg $0xC0  }
0xab: {  	_ =	task [dreg:s6], $0x5FFFF  }
0xac: {  	[dreg:$0x1] =	wrdreg $0xFFFFFFFF  }
0xad: {  	[dreg:$0x0] =	wrdreg $0x60  }
0xae: {  	[dreg:$0x2] =	wrdreg s24  }
0xaf: {  	[dreg:$0x3] =	wrdreg $0x9  }
0xb0: {  	_ =	task.clear_ibuf [dreg:s6], $0x4FFFF;
	_ =	strace $0x90000046  }
0xb1: {  	s29 =	simm.s32 $0x9;
	_ =	strace $0x80000048  }
0xb2: {  	_ =	swait.ge [sflag:s29], $0x1  }
0xb3: {  	[sflag:s29] =	ssyncadd.s32 $0xFFFFFFFF  }
0xb4: {  	_ =	strace $0x90000048  }
0xb5: {  	_ =	sfence  }
0xb6: {  	s30 =	sld [smem:$0x0];
	_ =	sdelay $0x2  }
0xb7: {  	s31 =	sshll.u32 s1, $0xD;
	s1 =	sshrl.u32 s1, $0x2  }
0xb8: {  	s3 =	sand.u32 $0x4000, s31;
	s1 =	sadd.s32 s1, s30  }
0xb9: {  	s0 =	sor.u32 s3, s0;
	s1 =	sshll.u32 s1, $0x11  }
0xba: {  	s0 =	sor.u32 s1, s0  }
0xbb: {  	s0 =	sadd.s32 $0x8F2B, s0  }
0xbc: {  	[sflag:s0] =	ssyncadd.remote.s32 $0x1  }
0xbd: {  	_ =	sfence.sel $0xFFFF  }
0xbe: {  	[dreg:$0x0] =	wrdreg $0xFFFFFFFF;
	(pc) =	sbr.abs _section_cstart, $3  }
0xbf: {  	[dreg:$0x1] =	wrdreg $0xFFFFFFFF  }
0xc0: {  	_ =	task.clear_ibuf [dreg:s6], $0x2FFFF;
	_ =	strace $0x9FFFFFFF  }
0xc1: {  	(tm) =	ssettm $0x7FFFFFFF  }
tec
execute0_lowered:
.L_overlay_start_1:
0x0: {  	(tag) =	ssettag $0x1  }
0x1: {  	s5 =	rddreg [dreg:$0x0]  }
0x2: {  	s0 =	rddreg [dreg:$0x1];
	s1 =	simm.s32 $0x0  }
0x3: {  	s2 =	srdreg.scid;
	s9 =	simm.s32 $0x1;
	s10 =	simm.s32 $0x2  }
0x4: {  	s11 =	simm.s32 $0x8000;
	s12 =	simm.s32 $0x3;
	s13 =	simm.s32 $0x0  }
0x5: {  	[smem:$0x7FF] =	sst s1;
	s6 =	sand.u32 $0x1, s2;
	s3 =	sadd.s32 $0x5600, s5  }
0x6: {  	s4 =	sadd.s32 $0x1600, s5;
	s2 =	stileid.u32;
	s7 =	ssub.s32 $0x2, s6  }
0x7: {  	s5 =	sadd.s32 $0x9600, s5;
	_ =	strace $0x80000047;
	s8 =	sshrl.u32 s7, $0x1  }
0x8: {  	s31 =	sshll.u32 s2, $0x4;
	s6 =	sshll.u32 s6, $0x3;
	s7 =	ssub.s32 s7, s8  }
0x9: {  	v0 =	vimm.f32 $0.0e+00;
	v1 =	vimm.s32 $0x0;
	s6 =	sor.u32 s6, s31;
	s8 =	simm.s32 $0x4000;
	s7 =	smax.u32 s7, $0x1  }
.LBB2_1:
0xa: {  	s14 =	simm.s32 $0x0  }
.LBB2_2:
0xb: {  	s16 =	simm.s32 $0x0  }
0xc: {  	s15 =	sand.u32 $0x70, s16;
	s17 =	sand.u32 $0x7C00, s16  }
0xd: {  	s15 =	sor.u32 s15, s17  }
0xe: {  	[tilespmem:s15+$0x8080] =	vst v0  }
0xf: {  	[tilespmem:s15+$0x8100] =	vst v0  }
0x10: {  	[tilespmem:s15+$0x8180] =	vst v0  }
0x11: {  	s18 =	simm.s32 $0x0;
	s19 =	sand.u32 $0x7, s16;
	s17 =	simm.s32 $0x10;
	[tilespmem:s15+$0x8200] =	vst v0  }
.LBB2_3:
0x12: {  	p0 =	sne.s32 s17, $0xFF0;
	s19 =	sshll.u32 s19, $0x4;
	[tilespmem:s15+$0x8280] =	vst v0  }
0x13: {  	s19 =	sadd.s32 s19, s16;
	[tilespmem:s15+$0x8300] =	vst v0  }
0x14: {  	[tilespmem:s15+$0x8000] =	vst v0;
	s19 =	sor.u32 $0x380, s19  }
0x15: {  	[tilespmem:s19+$0x8000] =	vst v0  }
0x16: {  	[tilespmem:s15+$0x10000] =	vst v0  }
0x17: {  	[tilespmem:s15+$0x10080] =	vst v0  }
0x18: {  	[tilespmem:s15+$0x10100] =	vst v0  }
0x19: {  	[tilespmem:s15+$0x10180] =	vst v0  }
0x1a: {  	[tilespmem:s15+$0x10200] =	vst v0  }
0x1b: {  	s16 =	sadd.s32 $0x80, s16;
	[tilespmem:s15+$0x10280] =	vst v0  }
0x1c: {  	s20 =	sand.u32 $0x7C00, s16;
	s19 =	sand.u32 $0x70, s17;
	[tilespmem:s15+$0x10300] =	vst v0  }
.Ltmp0:
0x1d: {  	[tilespmem:s15+$0x10380] =	vst v0;
	s15 =	sor.u32 s19, s20;
	(pc) =	sbr.rel @p0 .LBB2_3-.Ltmp0, $4  }
0x1e: {  	[tilespmem:s15+$0x8080] =	vst v0  }
0x1f: {  	[tilespmem:s15+$0x8100] =	vst v0  }
0x20: {  	s18 =	sadd.s32 $0x1, s18;
	[tilespmem:s15+$0x8180] =	vst v0  }
0x21: {  	s17 =	sadd.s32 $0x10, s17;
	s19 =	sand.u32 $0x7, s18;
	[tilespmem:s15+$0x8200] =	vst v0  }
0x22: {  	s17 =	sshll.u32 s19, $0x4;
	[tilespmem:s15+$0x8280] =	vst v0  }
0x23: {  	[tilespmem:s15+$0x8300] =	vst v0;
	s16 =	sadd.s32 s17, s16  }
0x24: {  	[tilespmem:s15+$0x8000] =	vst v0;
	s16 =	sor.u32 $0x380, s16  }
0x25: {  	[tilespmem:s16+$0x8000] =	vst v0  }
0x26: {  	[tilespmem:s15+$0x10000] =	vst v0  }
0x27: {  	[tilespmem:s15+$0x10080] =	vst v0  }
0x28: {  	[tilespmem:s15+$0x10100] =	vst v0  }
0x29: {  	[tilespmem:s15+$0x10180] =	vst v0  }
0x2a: {  	[tilespmem:s15+$0x10200] =	vst v0  }
0x2b: {  	[tilespmem:s15+$0x10280] =	vst v0  }
0x2c: {  	[tilespmem:s15+$0x10300] =	vst v0  }
0x2d: {  	s16 =	simm.s32 $0x0;
	[tilespmem:s15+$0x10380] =	vst v0;
	s15 =	sadd.s32 s6, s14  }
0x2e: {  	[tilespmem:s16], [sflag:$0x1] =	stream.linear.gather [hbm4b:s3+s16], $0x2000, $0x38;
	[tilespmem:$0x18000] =	vst v63  }
0x2f: {  	p0 =	por $0x0, $0x0;
	s31 =	sshll.u32 s15, $0x4  }
0x30: {  	v2 =	vmov s31;
	[tilespmem:s8], [sflag:$0x2] =	stream.linear.gather [hbm4b:s4+s16], $0x2000, $0x38;
	[tilespmem:$0x18000] =	vst v63  }
.LBB2_6:
0x31: {  	s17 =	simm.s32 $0x1;
	_ =	swait.ge [sflag:s9], $0x2000  }
0x32: {  	s18 =	smov.u32 s16;
	s20 =	sshll.u32 s16, $0xD;
	s16 =	sadd.s32 $0x1, s16  }
0x33: {  	s17 =	simm.s32 @!p0 $0x0;
	[sflag:s9] =	ssyncset.done $0x0;
	p1 =	seq.s32 s18, $0xF  }
0x34: {  	s18 =	sand.u32 $0x2000, s20;
	s17 =	sshll.u32 s17, $0xD;
	[sflag:s9] =	ssyncadd.s32 $0xFFFFE000  }
0x35: {  	s20 =	sshll.u32 @!p1 s16, $0xA;
	s21 =	ssub.s32 @!p1 $0x2000, s18;
	_ =	swait.ge [sflag:s10], $0x2000  }
0x36: {  	s19 =	sor.u32 $0x40, s17;
	s17 =	sor.u32 $0x4070, s17;
	[sflag:s10] =	ssyncset.done $0x0  }
0x37: {  	s23 =	simm.s32 @!p1 $0x0;
	s22 =	sadd.s32 @!p1 s3, s20;
	v4 =	vmov s17;
	[sflag:s10] =	ssyncadd.s32 $0xFFFFE000  }
0x38: {  	v3 =	vmov s19;
	[tilespmem:s21], [sflag:$0x1] =	stream.linear.gather @!p1 [hbm4b:s22+s23], $0x2000, $0x38;
	[tilespmem:$0x18000] =	vst v63  }
0x39: {  	s17 =	ssub.s32 @!p1 $0x6000, s18;
	s18 =	sadd.s32 @!p1 s4, s20  }
0x3a: {  	[tilespmem:s17], [sflag:$0x2] =	stream.linear.gather @!p1 [hbm4b:s18+s23], $0x2000, $0x38;
	[tilespmem:$0x18000] =	vst v63  }
0x3b: {  	s17 =	simm.s32 $0x0  }
0x3c: {  	v5 =	vld.idx.msk [tilespmem:v4+s17+$0x0 ss:$0x1], $0xffff  }
0x3d: {  	v20 =	vld.idx.msk [tilespmem:v3+s17+$0xFFFFFFE0 ss:$0x1], $0xffff  }
0x3e: {  	v7 =	vld.idx.msk [tilespmem:v4+s17+$0xFFFFFFE0 ss:$0x1], $0xffff  }
0x3f: {  	v9 =	vld.idx.msk [tilespmem:v4+s17+$0xFFFFFFA0 ss:$0x1], $0xffff  }
0x40: {  	v10 =	vld.idx.msk [tilespmem:v3+s17+$0xFFFFFFD0 ss:$0x1], $0xffff  }
0x41: {  	v12 =	vld.idx.msk [tilespmem:v4+s17+$0xFFFFFF90 ss:$0x1], $0xffff  }
0x42: {  	v15 =	vld.idx.msk [tilespmem:v3+s17+$0xFFFFFFC0 ss:$0x1], $0xffff  }
0x43: {  	v21 =	vld.idx.msk [tilespmem:v3+s17+$0xFFFFFFF0 ss:$0x1], $0xffff;
	_ =	sdelay $0x1  }
0x44: {  	v8 =	vshll.u32 v5, $0x3;
	v5 =	vand.u32 $0x7F, v5  }
0x45: {  	v6 =	vand.u32 $0x7F, v7;
	v11 =	vshll.u32 v7, $0x3;
	v13 =	vshll.u32 v9, $0x3  }
0x46: {  	v14 =	vshll.u32 v10, $0xC;
	v23 =	vshll.u32 v12, $0x3;
	v24 =	vshll.u32 v20, $0x7  }
0x47: {  	v19 =	vshll.u32 v20, $0xC;
	v22 =	vshll.u32 v21, $0x7;
	v27 =	vsub.s32 v15, v2  }
0x48: {  	v18 =	vld.idx.msk [tilespmem:v4+s17+$0xFFFFFFB0 ss:$0x1], $0xffff;
	v28 =	vshll.u32 v15, $0x7;
	v7 =	vand.u32 $0xFFFFFC00, v8;
	v8 =	vand.u32 $0x7F, v9  }
0x49: {  	v9 =	vand.u32 $0xFFFFFC00, v11;
	v13 =	vand.u32 $0xFFFFFC00, v13;
	v11 =	vshll.u32 v10, $0x7  }
0x4a: {  	v17 =	vand.u32 $0x8000, v14;
	v10 =	vsub.s32 v10, v2;
	v14 =	vshll.u32 v15, $0xC  }
0x4b: {  	v26 =	vld.idx.msk [tilespmem:v4+s17+$0xFFFFFFC0 ss:$0x1], $0xffff;
	v25 =	vand.u32 $0x8000, v19;
	vm1 =	vlt.u32 v27, $0x10;
	v29 =	vand.u32 $0x380, v24  }
0x4c: {  	v24 =	vsub.s32 v20, v2;
	v20 =	vand.u32 $0x380, v28;
	vm0 =	vlt.u32 v10, $0x10  }
0x4d: {  	v16 =	vand.u32 $0x8000, v14;
	v10 =	vand.u32 $0x7F, v12;
	v12 =	vshll.u32 v18, $0x3;
	v14 =	vld.idx.msk [tilespmem:v4+s17+$0xFFFFFFD0 ss:$0x1], $0xffff  }
0x4e: {  	v15 =	vld.idx.msk [tilespmem:v3+s17+$0x0 ss:$0x1], $0xffff;
	v13 =	vadd.s32 v17, v13;
	v17 =	vshll.u32 v21, $0xC;
	v12 =	vand.u32 $0xFFFFFC00, v12  }
0x4f: {  	v19 =	vand.u32 $0x8000, v17;
	v17 =	vand.u32 $0x380, v22;
	v22 =	vand.u32 $0x7F, v18  }
0x50: {  	v18 =	vshll.u32 v26, $0x3;
	v27 =	vadd.s32 v25, v12;
	v12 =	vsub.s32 v21, v2  }
0x51: {  	v21 =	vand.u32 $0xFFFFFC00, v23;
	v25 =	vand.u32 $0xFFFFFC00, v18;
	v18 =	vand.u32 $0x7F, v26  }
0x52: {  	s18 =	simm.s32 $0x200;
	vm2 =	vlt.u32 v12, $0x10;
	v12 =	vld.idx.msk [tilespmem:v3+s17+$0x10 ss:$0x1], $0xffff;
	v26 =	vor.u32 v29, v27;
	v23 =	vshll.u32 v14, $0x3  }
.LBB2_7:
0x53: {  	p1 =	seq.s32 s18, $0x7E00;
	v22 =	vor.u32 v22, v26;
	v19 =	vadd.s32 v19, v25;
	v25 =	vshll.u32 v15, $0xC;
	s19 =	smov.u32 s18;
	s18 =	sadd.s32 $0x200, s18  }
0x54: {  	v26 =	vsel vm2, $0x3F800000, v1;
	v16 =	vadd.s32 v16, v21;
	v21 =	vand.u32 $0xFFFFFC00, v23  }
0x55: {  	vm2 =	vlt.u32 v24, $0x10;
	v17 =	vor.u32 v17, v19;
	v19 =	vshll.u32 v15, $0x7;
	v23 =	vld.idx.msk [tilespmem:v3+s17+$0x20 ss:$0x1], $0xffff  }
0x56: {  	v11 =	vand.u32 $0x380, v11;
	v14 =	vand.u32 $0x7F, v14;
	v24 =	vsel vm2, $0x3F800000, v1  }
0x57: {  	v15 =	vsub.s32 v15, v2;
	v16 =	vor.u32 v20, v16;
	v20 =	vshll.u32 v12, $0xC;
	v27 =	vld.idx.msk [tilespmem:v4+s17+$0xFFFFFFF0 ss:$0x1], $0xffff  }
0x58: {  	vm2 =	vlt.u32 v15, $0x10;
	v15 =	vor.u32 v18, v17;
	v17 =	vand.u32 $0x8000, v20  }
0x59: {  	v19 =	vand.u32 $0x380, v19;
	v9 =	vadd.s32 v17, v9;
	v17 =	vshll.u32 v12, $0x7;
	v18 =	vld.idx.msk [tilespmem:v3+s17+$0x30 ss:$0x1], $0xffff  }
0x5a: {  	v11 =	vor.u32 v11, v13;
	v13 =	vand.u32 $0x8000, v25;
	v12 =	vsub.s32 v12, v2  }
0x5b: {  	v10 =	vor.u32 v10, v16;
	v20 =	vsel vm2, $0x3F800000, v1;
	v16 =	vshll.u32 v23, $0x7  }
0x5c: {  	v8 =	vor.u32 v8, v11;
	v11 =	vadd.s32 v13, v21;
	v13 =	vshll.u32 v23, $0xC  }
0x5d: {  	vm2 =	vlt.u32 v12, $0x10;
	v16 =	vand.u32 $0x380, v16;
	v12 =	vshll.u32 v27, $0x3  }
0x5e: {  	v11 =	vor.u32 v19, v11;
	v21 =	vsel vm2, $0x3F800000, v1;
	v19 =	vand.u32 $0x7F, v27  }
0x5f: {  	v25 =	vsel vm0, $0x3F800000, v1;
	v11 =	vor.u32 v14, v11;
	v12 =	vand.u32 $0xFFFFFC00, v12  }
0x60: {  	v17 =	vand.u32 $0x380, v17;
	v14 =	vsub.s32 v23, v2;
	v13 =	vand.u32 $0x8000, v13  }
0x61: {  	v9 =	vor.u32 v17, v9;
	vm0 =	vlt.u32 v14, $0x10;
	v14 =	vshll.u32 v18, $0xC  }
0x62: {  	v17 =	vsel vm1, $0x3F800000, v1;
	v12 =	vadd.s32 v13, v12;
	v13 =	vand.u32 $0x8000, v14  }
0x63: {  	v7 =	vadd.s32 v13, v7;
	[tilespmem:v10+s11+$0x0] =	vst.idx.add.f32.msk $0xffff, v17;
	v10 =	vor.u32 v16, v12;
	v12 =	vshll.u32 v18, $0x7  }
0x64: {  	v13 =	vsub.s32 v18, v2;
	[tilespmem:v8+s11+$0x0] =	vst.idx.add.f32.msk $0xffff, v25;
	v8 =	vor.u32 v19, v10;
	v10 =	vand.u32 $0x380, v12  }
0x65: {  	v12 =	vsel vm0, $0x3F800000, v1;
	vm0 =	vlt.u32 v13, $0x10;
	[tilespmem:v22+s11+$0x0] =	vst.idx.add.f32.msk $0xffff, v24;
	v7 =	vor.u32 v10, v7  }
0x66: {  	v6 =	vor.u32 v6, v9;
	[tilespmem:v15+s11+$0x0] =	vst.idx.add.f32.msk $0xffff, v26;
	v5 =	vor.u32 v5, v7  }
0x67: {  	[tilespmem:v11+s11+$0x0] =	vst.idx.add.f32.msk $0xffff, v20;
	_ =	sdelay $0x1  }
0x68: {  	v7 =	vsel vm0, $0x3F800000, v1;
	_ =	sdelay $0x1  }
0x69: {  	[tilespmem:v6+s11+$0x0] =	vst.idx.add.f32.msk $0xffff, v21  }
0x6a: {  	[tilespmem:v8+s11+$0x0] =	vst.idx.add.f32.msk $0xffff, v12  }
0x6b: {  	s17 =	sshra.s32 s19, $0x2;
	[tilespmem:v5+s11+$0x0] =	vst.idx.add.f32.msk $0xffff, v7  }
0x6c: {  	v5 =	vld.idx.msk [tilespmem:v4+s17+$0x0 ss:$0x1], $0xffff  }
0x6d: {  	v20 =	vld.idx.msk [tilespmem:v3+s17+$0xFFFFFFE0 ss:$0x1], $0xffff  }
0x6e: {  	v7 =	vld.idx.msk [tilespmem:v4+s17+$0xFFFFFFE0 ss:$0x1], $0xffff  }
0x6f: {  	v9 =	vld.idx.msk [tilespmem:v4+s17+$0xFFFFFFA0 ss:$0x1], $0xffff  }
0x70: {  	v10 =	vld.idx.msk [tilespmem:v3+s17+$0xFFFFFFD0 ss:$0x1], $0xffff  }
0x71: {  	v12 =	vld.idx.msk [tilespmem:v4+s17+$0xFFFFFF90 ss:$0x1], $0xffff  }
0x72: {  	v8 =	vshll.u32 v5, $0x3;
	v18 =	vld.idx.msk [tilespmem:v3+s17+$0xFFFFFFC0 ss:$0x1], $0xffff  }
0x73: {  	v5 =	vand.u32 $0x7F, v5;
	v21 =	vld.idx.msk [tilespmem:v4+s17+$0xFFFFFFB0 ss:$0x1], $0xffff  }
0x74: {  	v6 =	vand.u32 $0x7F, v7;
	v11 =	vshll.u32 v7, $0x3;
	v7 =	vand.u32 $0xFFFFFC00, v8;
	v23 =	vld.idx.msk [tilespmem:v3+s17+$0xFFFFFFF0 ss:$0x1], $0xffff  }
0x75: {  	v8 =	vand.u32 $0x7F, v9;
	v13 =	vshll.u32 v9, $0x3;
	v9 =	vand.u32 $0xFFFFFC00, v11;
	v24 =	vld.idx.msk [tilespmem:v4+s17+$0xFFFFFFC0 ss:$0x1], $0xffff  }
0x76: {  	v14 =	vshll.u32 v10, $0xC;
	v13 =	vand.u32 $0xFFFFFC00, v13;
	v11 =	vshll.u32 v10, $0x7  }
0x77: {  	v26 =	vshll.u32 v20, $0x7;
	v25 =	vshll.u32 v12, $0x3;
	v17 =	vand.u32 $0x8000, v14  }
0x78: {  	v19 =	vshll.u32 v20, $0xC;
	v10 =	vsub.s32 v10, v2;
	v16 =	vshll.u32 v18, $0xC;
	v14 =	vld.idx.msk [tilespmem:v4+s17+$0xFFFFFFD0 ss:$0x1], $0xffff  }
0x79: {  	v27 =	vand.u32 $0x8000, v19;
	vm0 =	vlt.u32 v10, $0x10;
	v16 =	vand.u32 $0x8000, v16;
	v15 =	vld.idx.msk [tilespmem:v3+s17+$0x0 ss:$0x1], $0xffff  }
0x7a: {  	v10 =	vand.u32 $0x7F, v12;
	v12 =	vshll.u32 v21, $0x3;
	v22 =	vshll.u32 v23, $0x7  }
0x7b: {  	v13 =	vadd.s32 v17, v13;
	v28 =	vand.u32 $0xFFFFFC00, v12;
	v12 =	vshll.u32 v23, $0xC  }
0x7c: {  	v29 =	vsub.s32 v18, v2;
	v19 =	vand.u32 $0x8000, v12;
	v17 =	vand.u32 $0x380, v22  }
.Ltmp1:
0x7d: {  	vm1 =	vlt.u32 v29, $0x10;
	v22 =	vand.u32 $0x7F, v21;
	v27 =	vadd.s32 v27, v28;
	v12 =	vld.idx.msk [tilespmem:v3+s17+$0x10 ss:$0x1], $0xffff;
	(pc) =	sbr.rel @!p1 .LBB2_7-.Ltmp1, $4  }
0x7e: {  	v23 =	vsub.s32 v23, v2;
	v21 =	vand.u32 $0xFFFFFC00, v25;
	v25 =	vshll.u32 v24, $0x3  }
0x7f: {  	vm2 =	vlt.u32 v23, $0x10;
	v28 =	vshll.u32 v18, $0x7;
	v25 =	vand.u32 $0xFFFFFC00, v25  }
0x80: {  	v26 =	vand.u32 $0x380, v26;
	v18 =	vand.u32 $0x7F, v24;
	v23 =	vshll.u32 v14, $0x3  }
0x81: {  	v24 =	vsub.s32 v20, v2;
	v20 =	vand.u32 $0x380, v28;
	v26 =	vor.u32 v26, v27  }
0x82: {  	v22 =	vor.u32 v22, v26;
	v19 =	vadd.s32 v19, v25;
	v36 =	vshll.u32 v15, $0xC  }
0x83: {  	v37 =	vsel vm2, $0x3F800000, v1;
	v16 =	vadd.s32 v16, v21;
	v38 =	vand.u32 $0xFFFFFC00, v23  }
0x84: {  	vm11 =	vlt.u32 v24, $0x10;
	v40 =	vshll.u32 v15, $0x7;
	v11 =	vand.u32 $0x380, v11  }
0x85: {  	v14 =	vand.u32 $0x7F, v14;
	v41 =	vshll.u32 v12, $0xC;
	v42 =	vsub.s32 v15, v2  }
0x86: {  	v39 =	vld.idx.msk [tilespmem:v3+s17+$0x20 ss:$0x1], $0xffff;
	v45 =	vshll.u32 v12, $0x7;
	v51 =	vsel vm0, $0x3F800000, v1;
	v55 =	vsel vm1, $0x3F800000, v1  }
0x87: {  	v4 =	vld.idx.msk [tilespmem:v4+s17+$0xFFFFFFF0 ss:$0x1], $0xffff;
	v17 =	vor.u32 v17, v19;
	v16 =	vor.u32 v20, v16;
	v43 =	vand.u32 $0x8000, v41  }
0x88: {  	v3 =	vld.idx.msk [tilespmem:v3+s17+$0x30 ss:$0x1], $0xffff;
	v44 =	vand.u32 $0x380, v40;
	v11 =	vor.u32 v11, v13;
	v46 =	vand.u32 $0x8000, v36  }
0x89: {  	v52 =	vand.u32 $0x380, v45;
	v17 =	vor.u32 v18, v17;
	v48 =	vadd.s32 v46, v38  }
0x8a: {  	v9 =	vadd.s32 v43, v9;
	v8 =	vor.u32 v8, v11;
	v11 =	vor.u32 v44, v48  }
0x8b: {  	v10 =	vor.u32 v10, v16;
	v9 =	vor.u32 v52, v9;
	v11 =	vor.u32 v14, v11  }
0x8c: {  	v6 =	vor.u32 v6, v9;
	v47 =	vshll.u32 v39, $0x7;
	v49 =	vshll.u32 v39, $0xC  }
0x8d: {  	v50 =	vshll.u32 v4, $0x3;
	v4 =	vand.u32 $0x7F, v4;
	v54 =	vshll.u32 v3, $0xC  }
0x8e: {  	v56 =	vshll.u32 v3, $0x7;
	v53 =	vand.u32 $0xFFFFFC00, v50;
	v13 =	vand.u32 $0x8000, v49  }
0x8f: {  	v16 =	vand.u32 $0x380, v47;
	v14 =	vand.u32 $0x8000, v54;
	v13 =	vadd.s32 v13, v53  }
0x90: {  	v57 =	vand.u32 $0x380, v56;
	[tilespmem:v10+s11+$0x0] =	vst.idx.add.f32.msk $0xffff, v55;
	v7 =	vadd.s32 v14, v7;
	v13 =	vor.u32 v16, v13  }
0x91: {  	v58 =	vsel vm11, $0x3F800000, v1;
	[tilespmem:v8+s11+$0x0] =	vst.idx.add.f32.msk $0xffff, v51;
	v7 =	vor.u32 v57, v7;
	v4 =	vor.u32 v4, v13  }
0x92: {  	v59 =	vsub.s32 v12, v2;
	vm12 =	vlt.u32 v42, $0x10;
	[tilespmem:v22+s11+$0x0] =	vst.idx.add.f32.msk $0xffff, v58;
	v5 =	vor.u32 v5, v7  }
0x93: {  	vm13 =	vlt.u32 v59, $0x10;
	v60 =	vsel vm12, $0x3F800000, v1;
	v61 =	vsub.s32 v39, v2;
	[tilespmem:v17+s11+$0x0] =	vst.idx.add.f32.msk $0xffff, v37  }
0x94: {  	v62 =	vsel vm13, $0x3F800000, v1;
	v3 =	vsub.s32 v3, v2;
	vm14 =	vlt.u32 v61, $0x10;
	[tilespmem:v11+s11+$0x0] =	vst.idx.add.f32.msk $0xffff, v60  }
0x95: {  	vm15 =	vlt.u32 v3, $0x10;
	v63 =	vsel vm14, $0x3F800000, v1;
	[tilespmem:v6+s11+$0x0] =	vst.idx.add.f32.msk $0xffff, v62  }
0x96: {  	v3 =	vsel vm15, $0x3F800000, v1;
	[tilespmem:v4+s11+$0x0] =	vst.idx.add.f32.msk $0xffff, v63  }
0x97: {  	[tilespmem:v5+s11+$0x0] =	vst.idx.add.f32.msk $0xffff, v3  }
0x98: {  	p1 =	seq.s32 s16, $0x10  }
.Ltmp2:
0x99: {  	_ = 	snop;
	(pc) =	sbr.rel @!p1 .LBB2_6-.Ltmp2, $2  }
0x9a: {  	_ =	sdelay $0x2  }
0x9b: {  	p0 =	por !p0, !p0  }
0x9c: {  	s14 =	sadd.s32 $0x1, s14  }
0x9d: {  	s15 =	sshll.u32 s15, $0xD;
	p0 =	sne.s32 s14, $0x8  }
.Ltmp3:
0x9e: {  	s15 =	sadd.s32 s5, s15;
	(pc) =	sbr.rel @p0 .LBB2_2-.Ltmp3, $4  }
0x9f: {  	[hbm4b:s15+s1] =	stream.linear.scatter [tilespmem:s11], [sflag:$0x3], $0x10000, $0x38;
	[tilespmem:$0x18000] =	vst v63  }
0xa0: {  	_ =	swait.ge [sflag:s12], $0x10000  }
0xa1: {  	[sflag:s12] =	ssyncset.done $0x0  }
0xa2: {  	[sflag:s12] =	ssyncadd.s32 $0xFFFF0000  }
0xa3: {  	s13 =	sadd.s32 $0x1, s13  }
0xa4: {  	p0 =	sne.s32 s13, s7  }
.Ltmp4:
0xa5: {  	_ = 	snop;
	(pc) =	sbr.rel @p0 .LBB2_1-.Ltmp4, $1  }
0xa6: {  	_ =	sdelay $0x3  }
0xa7: {  	_ =	sfence.sel $0x180000  }
0xa8: {  	[bflag:$0x0] =	sbarrier.arrive $0xFFFF  }
0xa9: {  	p0 =	sne.s32 s2, $0x0;
	_ =	strace $0x90000047  }
0xaa: {  	s0 =	sadd.s32 @!p0 $0x100000, s0;
	[bflag:$0x2] =	sbarrier.arrive $0xFFFF  }
0xab: {  	[sflag:s0] =	ssyncadd.tile.s32 @!p0 $0x1;
	_ =	shalt  }
.Lfunc_end2:
_tile_overlayer_lowered:
.L_overlay_start_2:
0xac: {  	(tag) =	ssettag $0x2  }
0xad: {  	s0 =	rddreg [dreg:$0x0];
	s2 =	stileid.u32  }
0xae: {  	s1 =	rddreg [dreg:$0x1];
	p0 =	sne.s32 s2, $0x0  }
0xaf: {  	s3 =	rddreg [dreg:$0x2];
	[bflag:$0x3] =	sbarrier.arrive $0xFFFF;
	s2 =	simm.s32 @!p0 $0x1C03  }
0xb0: {  	[timem:s3], [sflag:s2] =	dma.local @!p0 [hbm:s0], s1  }
0xb1: {  	s0 =	simm.s32 @!p0 $0x3  }
0xb2: {  	_ =	swait.ge @!p0 [sflag:s0], s1  }
0xb3: {  	s1 =	ssub.s32 @!p0 $0x0, s1;
	[sflag:s0] =	ssyncset.done @!p0 $0x0  }
0xb4: {  	[sflag:s0] =	ssyncadd.s32 @!p0 s1  }
0xb5: {  	[bflag:$0x3] =	sbarrier.arrive $0xFFFF  }
0xb6: {  	_ =	shalt  }

// kernel: sparse-core-data-format-call.cloned.1.call-start
scs
called_computation_lowered:
.L_overlay_start_0:
0x0: {  	s2 =	sld [smem:$0x3FD9]  }
0x1: {  	s3 =	sld [smem:$0x3FFE];
	_ =	sdelay $0x1  }
0x2: {  	s1 =	srdreg.scid  }
0x3: {  	s0 =	sand.u32 $0x1, s1  }
0x4: {  	s18 =	sshll.u32 s0, $0xA;
	s2 =	sadd.s32 s3, s2  }
0x5: {  	s2 =	sadd.s32 s2, s18  }
0x6: {  	[smem:$0x3FC2] =	sst s2  }
0x7: {  	_ = 	snop  }
0x8: {  	s2 =	sld [smem:$0x3FD0];
	(tm) =	ssettm $0x1  }
0x9: {  	s19 =	sld [smem:$0x3FFB];
	_ =	sdelay $0x3  }
0xa: {  	_ =	strace s19  }
0xb: {  	s3 =	sld [smem:$0x3FFC];
	_ =	sdelay $0x3  }
0xc: {  	_ =	strace s3  }
0xd: {  	s3 =	sld [smem:$0x3FFD];
	_ =	sdelay $0x3  }
0xe: {  	_ =	strace s3  }
0xf: {  	_ =	strace $0x8FFFFFFF  }
0x10: {  	s20 =	sld [smem:$0x3FDB];
	_ =	sdelay $0x1  }
0x11: {  	s4 =	simm.s32 $_scs_section_size  }
0x12: {  	s5 =	simm.s32 $_size__tile_overlayer_lowered;
	s6 =	simm.s32 $_tile_overlayer_lowered  }
0x13: {  	s23 =	simm.s32 $0x1BFF;
	s22 =	sshll.u32 s6, $0x1;
	s3 =	sadd.s32 s4, s20  }
0x14: {  	s7 =	simm.s32 $0x0;
	s21 =	sshll.u32 s5, $0x1;
	s5 =	sadd.s32 s22, s3  }
0x15: {  	[timem:s7], [sflag:s23] =	dma.local [hbm:s5], s21  }
0x16: {  	_ =	swait.ge [sflag:s23], s21  }
0x17: {  	s4 =	ssub.s32 $0x0, s21;
	[sflag:s23] =	ssyncset.done $0x0  }
0x18: {  	[sflag:s23] =	ssyncadd.s32 s4;
	_ =	sdelay $0x1  }
0x19: {  	s24 =	simm.s32 $0x1B8B  }
0x1a: {  	_ =	swait.ge [sflag:s24], $0x1  }
0x1b: {  	[sflag:s24] =	ssyncset.done $0x0  }
0x1c: {  	s26 =	simm.s32 $0x1B8E;
	s25 =	sld [smem:$0x3FFE];
	[sflag:s24] =	ssyncadd.s32 $0xFFFFFFFF  }
0x1d: {  	s27 =	simm.s32 $execute0_lowered;
	[smem:$0x3FD2] =	sst s26  }
0x1e: {  	s5 =	sshll.u32 s27, $0x1;
	_ =	strace $0x80000049;
	[dreg:$0x1] =	wrdreg $0xFFFFFFFF  }
0x1f: {  	s28 =	simm.s32 $_size_execute0_lowered;
	s3 =	sadd.s32 s3, s5;
	[dreg:$0x0] =	wrdreg $0x0  }
0x20: {  	s5 =	sshll.u32 s28, $0x1;
	[dreg:$0x2] =	wrdreg s3  }
0x21: {  	[dreg:$0x3] =	wrdreg s5  }
0x22: {  	[dreg:$0x4] =	wrdreg $0xC0  }
0x23: {  	_ =	task [dreg:s7], $0x5FFFF  }
0x24: {  	[dreg:$0x1] =	wrdreg $0xFFFFFFFF  }
0x25: {  	[dreg:$0x0] =	wrdreg $0x60  }
0x26: {  	[dreg:$0x2] =	wrdreg s25  }
0x27: {  	[dreg:$0x3] =	wrdreg s2  }
0x28: {  	[dreg:$0x4] =	wrdreg $0x9  }
0x29: {  	_ =	task.clear_ibuf [dreg:s7], $0x5FFFF;
	_ =	strace $0x90000049  }
0x2a: {  	s29 =	simm.s32 $0x9;
	_ =	strace $0x8000004B  }
0x2b: {  	_ =	swait.ge [sflag:s29], $0x1  }
0x2c: {  	[sflag:s29] =	ssyncadd.s32 $0xFFFFFFFF  }
0x2d: {  	_ =	strace $0x9000004B  }
0x2e: {  	_ =	sfence  }
0x2f: {  	s30 =	sld [smem:$0x0];
	_ =	sdelay $0x2  }
0x30: {  	s31 =	sshll.u32 s1, $0xD;
	s1 =	sshrl.u32 s1, $0x2  }
0x31: {  	s3 =	sand.u32 $0x4000, s31;
	s1 =	sadd.s32 s1, s30  }
0x32: {  	s0 =	sor.u32 s3, s0;
	s1 =	sshll.u32 s1, $0x11  }
0x33: {  	s0 =	sor.u32 s1, s0  }
0x34: {  	s0 =	sadd.s32 $0x8F2B, s0  }
0x35: {  	[sflag:s0] =	ssyncadd.remote.s32 $0x1  }
0x36: {  	_ =	sfence.sel $0xFFFF  }
0x37: {  	[dreg:$0x0] =	wrdreg $0xFFFFFFFF;
	(pc) =	sbr.abs _section_cstart, $3  }
0x38: {  	[dreg:$0x1] =	wrdreg $0xFFFFFFFF  }
0x39: {  	_ =	task.clear_ibuf [dreg:s7], $0x2FFFF;
	_ =	strace $0x9FFFFFFF  }
0x3a: {  	(tm) =	ssettm $0x7FFFFFFF  }
0x3b: {  	_ =	shalt  }
tec
execute0_lowered:
.L_overlay_start_1:
0x0: {  	(tag) =	ssettag $0x1  }
0x1: {  	s1 =	srdreg.scid;
	s4 =	rddreg [dreg:$0x0]  }
0x2: {  	s0 =	stileid.u32;
	s3 =	rddreg [dreg:$0x1];
	s8 =	simm.s32 $0x2  }
0x3: {  	s16 =	simm.s32 $0x0;
	s9 =	simm.s32 $0x40000;
	s1 =	sshll.u32 s1, $0x4  }
0x4: {  	s10 =	simm.s32 $0x0;
	s17 =	simm.s32 $0x0;
	s1 =	sor.u32 s0, s1  }
0x5: {  	s19 =	simm.s32 $0x0;
	s18 =	simm.s32 $0x0;
	s1 =	sshrl.u32 s1, $0x2  }
0x6: {  	s11 =	simm.s32 $0x0;
	s12 =	simm.s32 $0x0;
	s2 =	sand.u32 $0x6, s1  }
0x7: {  	s15 =	simm.s32 $0x0;
	s26 =	simm.s32 $0x0;
	s5 =	ssub.s32 $0x8, s2  }
0x8: {  	s4 =	sadd.s32 $0x1600, s4;
	s1 =	rddreg [dreg:$0x2];
	s6 =	sand.u32 $0x6, s5  }
.Ltmp0:
0x9: {  	p0 =	sne.s32 s6, $0x0;
	s6 =	simm.s32 $0x1;
	(pc) =	sbr.rel .LBB1_1-.Ltmp0, $4  }
0xa: {  	_ =	strace $0x8000004A;
	s7 =	sshrl.u32 s5, $0x3;
	s6 =	simm.s32 @!p0 $0x0  }
0xb: {  	s13 =	smov.u32 s2;
	s5 =	simm.s32 $0x1;
	s6 =	sadd.s32 s6, s7  }
0xc: {  	[sflag:s5] =	ssyncpa.u1 $0x0;
	s7 =	sand.u32 $0x7, s0;
	s6 =	sshll.u32 s6, $0x5  }
0xd: {  	[sflag:s8] =	ssyncpa.u1 $0x0;
	s14 =	smov.u32 s7;
	s8 =	sor.u32 $0x1, s6  }
.LBB1_7:
0xe: {  	s20 =	sadd.s32 $0x80, s11  }
0xf: {  	s16 =	sadd.s32 $0x40, s12;
	s21 =	smov.u32 s12;
	p1 =	sgt.s32 s20, $0xFFF  }
0x10: {  	s21 =	smov.u32 @p1 s16  }
0x11: {  	s22 =	smov.u32 s13;
	s16 =	sadd.s32 $0x8, s13;
	p2 =	sgt.s32 s21, $0x3F  }
0x12: {  	s22 =	smov.u32 @p2 s16  }
0x13: {  	s23 =	smov.u32 s14;
	s16 =	sadd.s32 $0x8, s14;
	p3 =	sgt.s32 s22, $0x7  }
0x14: {  	p0 =	slt.u32 s15, $0x2;
	s23 =	smov.u32 @p3 s16  }
0x15: {  	s17 =	smov.u32 s12;
	s20 =	simm.s32 @p1 $0x0;
	p1 =	sgt.s32 s23, $0x7  }
0x16: {  	s24 =	simm.s32 @!p0 $0x2;
	s23 =	smov.u32 @p1 s7;
	p1 =	sne.s32 s15, s8  }
.Ltmp1:
0x17: {  	s19 =	smov.u32 s13;
	_ =	swait.ge @!p0 [sflag:s24], $0x4000;
	(pc) =	sbr.rel @!p1 .LBB1_8-.Ltmp1, $4  }
0x18: {  	s18 =	smov.u32 s14;
	[sflag:s24] =	ssyncset.done @!p0 $0x0;
	s21 =	simm.s32 @p2 $0x0  }
0x19: {  	s10 =	sadd.s32 $0x4000, s10;
	[sflag:s24] =	ssyncadd.s32 @!p0 $0xFFFFC000;
	s12 =	smov.u32 s21  }
0x1a: {  	s22 =	smov.u32 @p3 s2;
	s16 =	smov.u32 s11;
	s11 =	smov.u32 s20  }
0x1b: {  	s13 =	smov.u32 s22;
	s15 =	sadd.s32 $0x1, s15;
	s14 =	smov.u32 s23  }
.LBB1_1:
0x1c: {  	p0 =	sge.u32 s15, s6  }
0x1d: {  	s31 =	sadd.s32 $0xFFFFFFFF, s15;
	s20 =	sxor.u32 @!p0 $0xFFFFFFFF, s15;
	s21 =	sand.u32 @!p0 $0x78, s11  }
0x1e: {  	s22 =	sshll.u32 @!p0 s12, $0x7;
	s23 =	sshll.u32 @!p0 s12, $0xC;
	s24 =	sshll.u32 @!p0 s11, $0x3  }
0x1f: {  	s20 =	sshll.u32 @!p0 s20, $0xE;
	s22 =	sand.u32 @!p0 $0x380, s22;
	s23 =	sand.u32 @!p0 $0x38000, s23  }
0x20: {  	s20 =	sand.u32 @!p0 $0x4000, s20;
	s21 =	sor.u32 @!p0 s22, s21;
	s22 =	sand.u32 @!p0 $0xC00, s24  }
0x21: {  	s23 =	sadd.s32 @!p0 s23, s24;
	s21 =	sor.u32 @!p0 s22, s21;
	s22 =	sshll.u32 @!p0 s14, $0x12  }
0x22: {  	s24 =	sshll.u32 @!p0 s13, $0xF;
	s23 =	sshrl.u32 @!p0 s23, $0x3;
	s22 =	sadd.s32 @!p0 s4, s22  }
0x23: {  	s23 =	sand.u32 @!p0 $0x7E00, s23;
	s22 =	sadd.s32 @!p0 s24, s22;
	s24 =	sand.u32 @!p0 $0x7, s11  }
0x24: {  	s21 =	sshrl.u32 @!p0 s21, $0x3;
	s22 =	sadd.s32 @!p0 s23, s22;
	s23 =	sshll.u32 @!p0 s24, $0x12  }
0x25: {  	s21 =	sadd.s32 @!p0 s21, s22;
	s22 =	sor.u32 @!p0 $0x400, s23;
	s23 =	simm.s32 @!p0 $0x8000  }
0x26: {  	[tilespmem:s20], [sflag:$0x1] =	stream.strided.gather @!p0 [hbm4b:s21+s22], $0x4000, s23, s22, $0x38;
	[tilespmem:$0x10000] =	vst v63  }
0x27: {  	p0 =	sge.u32 s31, s6  }
.Ltmp2:
0x28: {  	_ = 	snop;
	(pc) =	sbr.rel @p0 .LBB1_7-.Ltmp2, $1  }
0x29: {  	_ =	sdelay $0x3  }
0x2a: {  	s20 =	sshll.u32 s10, $0x2  }
0x2b: {  	_ =	swait.ge [sflag:s5], $0x4000;
	s21 =	sshll.u32 s15, $0xE;
	s23 =	simm.s32 $0x0  }
0x2c: {  	p1 =	por $0x1, $0x1;
	s20 =	sand.u32 $0x10000, s20;
	[sflag:s5] =	ssyncset.done $0x0  }
0x2d: {  	s21 =	sand.u32 $0x4000, s21;
	s22 =	sshrl.u32 s20, $0x2;
	[sflag:s5] =	ssyncadd.s32 $0xFFFFC000  }
0x2e: {  	s20 =	sor.u32 $0x8000, s21;
	s21 =	sadd.s32 $0x8040, s22;
	s22 =	sadd.s32 $0x40, s22  }
.LBB1_3:
0x2f: {  	s24 =	sshll.u32 s23, $0xD  }
0x30: {  	s24 =	sand.u32 $0x3FFFE000, s24  }
0x31: {  	s24 =	sadd.s32 s24, s22  }
0x32: {  	v0 =	vmov s24;
	_ =	sdelay $0x4  }
0x33: {  	v6 =	vld.idx.msk [tilespmem:v0+s26+$0x30 ss:$0x1], $0xffff  }
0x34: {  	v7 =	vld.idx.msk [tilespmem:v0+s26+$0xFFFFFFC0 ss:$0x1], $0xffff  }
0x35: {  	v1 =	vld.idx.msk [tilespmem:v0+s26+$0xFFFFFFD0 ss:$0x1], $0xffff  }
0x36: {  	s31 =	sshll.u32 s23, $0x7;
	v2 =	vld.idx.msk [tilespmem:v0+s26+$0xFFFFFFE0 ss:$0x1], $0xffff  }
0x37: {  	s23 =	sand.u32 $0x3FFFFF80, s31;
	v3 =	vld.idx.msk [tilespmem:v0+s26+$0xFFFFFFF0 ss:$0x1], $0xffff  }
0x38: {  	s23 =	sadd.s32 s23, s21;
	v4 =	vld.idx.msk [tilespmem:v0+s26+$0x0 ss:$0x1], $0xffff  }
0x39: {  	v5 =	vld.idx.msk [tilespmem:v0+s26+$0x10 ss:$0x1], $0xffff;
	[tilespmem:s23+$0x30] =	vst v6  }
0x3a: {  	p0 =	por p1, p1;
	s25 =	simm.s32 $0x400;
	s24 =	simm.s32 $0x80;
	[tilespmem:s23+$0xFFFFFFC0] =	vst v7;
	v6 =	vld.idx.msk [tilespmem:v0+s26+$0x20 ss:$0x1], $0xffff  }
.LBB1_4:
0x3b: {  	p1 =	sne.s32 s25, $0x7E00;
	v7 =	vld.idx.msk [tilespmem:v0+s24+$0x30 ss:$0x1], $0xffff;
	[tilespmem:s23+$0xFFFFFFD0] =	vst v1  }
0x3c: {  	v8 =	vld.idx.msk [tilespmem:v0+s24+$0xFFFFFFC0 ss:$0x1], $0xffff;
	[tilespmem:s23+$0xFFFFFFE0] =	vst v2  }
0x3d: {  	v1 =	vld.idx.msk [tilespmem:v0+s24+$0xFFFFFFD0 ss:$0x1], $0xffff;
	[tilespmem:s23+$0xFFFFFFF0] =	vst v3  }
.Ltmp3:
0x3e: {  	v2 =	vld.idx.msk [tilespmem:v0+s24+$0xFFFFFFE0 ss:$0x1], $0xffff;
	[tilespmem:s23+$0x0] =	vst v4;
	(pc) =	sbr.rel @p1 .LBB1_4-.Ltmp3, $4  }
0x3f: {  	v3 =	vld.idx.msk [tilespmem:v0+s24+$0xFFFFFFF0 ss:$0x1], $0xffff;
	[tilespmem:s23+$0x10] =	vst v5  }
0x40: {  	v4 =	vld.idx.msk [tilespmem:v0+s24+$0x0 ss:$0x1], $0xffff;
	[tilespmem:s23+$0x20] =	vst v6;
	s23 =	sadd.s32 $0x100, s23  }
0x41: {  	v5 =	vld.idx.msk [tilespmem:v0+s24+$0x10 ss:$0x1], $0xffff;
	[tilespmem:s23+$0x30] =	vst v7  }
0x42: {  	[tilespmem:s23+$0xFFFFFFC0] =	vst v8;
	v6 =	vld.idx.msk [tilespmem:v0+s24+$0x20 ss:$0x1], $0xffff;
	s24 =	sshra.s32 s25, $0x2;
	s25 =	sadd.s32 $0x200, s25  }
0x43: {  	_ =	sdelay $0x2  }
0x44: {  	[tilespmem:s23+$0xFFFFFFD0] =	vst v1  }
0x45: {  	v56 =	vld.idx.msk [tilespmem:v0+s24+$0x30 ss:$0x1], $0xffff;
	[tilespmem:s23+$0xFFFFFFE0] =	vst v2  }
0x46: {  	v57 =	vld.idx.msk [tilespmem:v0+s24+$0xFFFFFFC0 ss:$0x1], $0xffff;
	[tilespmem:s23+$0xFFFFFFF0] =	vst v3  }
0x47: {  	v58 =	vld.idx.msk [tilespmem:v0+s24+$0xFFFFFFD0 ss:$0x1], $0xffff;
	[tilespmem:s23+$0x0] =	vst v4  }
0x48: {  	v59 =	vld.idx.msk [tilespmem:v0+s24+$0xFFFFFFE0 ss:$0x1], $0xffff;
	[tilespmem:s23+$0x10] =	vst v5  }
0x49: {  	v60 =	vld.idx.msk [tilespmem:v0+s24+$0xFFFFFFF0 ss:$0x1], $0xffff;
	s31 =	sadd.s32 $0x100, s23;
	[tilespmem:s23+$0x20] =	vst v6  }
0x4a: {  	v61 =	vld.idx.msk [tilespmem:v0+s24+$0x0 ss:$0x1], $0xffff;
	[tilespmem:s31+$0x30] =	vst v56  }
0x4b: {  	v62 =	vld.idx.msk [tilespmem:v0+s24+$0x10 ss:$0x1], $0xffff;
	[tilespmem:s31+$0xFFFFFFC0] =	vst v57  }
0x4c: {  	v63 =	vld.idx.msk [tilespmem:v0+s24+$0x20 ss:$0x1], $0xffff;
	[tilespmem:s31+$0xFFFFFFD0] =	vst v58  }
.Ltmp4:
0x4d: {  	[tilespmem:s31+$0xFFFFFFE0] =	vst v59;
	(pc) =	sbr.rel @p0 .LBB1_3-.Ltmp4, $4  }
0x4e: {  	[tilespmem:s31+$0xFFFFFFF0] =	vst v60  }
0x4f: {  	[tilespmem:s31+$0x0] =	vst v61  }
0x50: {  	[tilespmem:s31+$0x10] =	vst v62  }
0x51: {  	p1 =	por $0x0, $0x0;
	s23 =	simm.s32 $0x1;
	[tilespmem:s31+$0x20] =	vst v63  }
0x52: {  	s19 =	sshll.u32 s19, $0x7;
	s21 =	sand.u32 $0x78, s16  }
0x53: {  	s22 =	sshll.u32 s16, $0x3;
	s18 =	sshll.u32 s18, $0xC;
	s17 =	sshll.u32 s17, $0xF  }
0x54: {  	s29 =	sand.u32 $0xE00, s16;
	s19 =	sand.u32 $0x380, s19;
	s22 =	sand.u32 $0xC00, s22  }
.Ltmp5:
0x55: {  	s18 =	sadd.s32 s3, s18;
	s19 =	sor.u32 s19, s21;
	(pc) =	sbr.rel .LBB1_7-.Ltmp5, $4  }
0x56: {  	s30 =	sand.u32 $0x7, s16;
	s17 =	sadd.s32 s17, s18;
	s19 =	sor.u32 s22, s19  }
0x57: {  	s16 =	sshll.u32 s30, $0x12;
	s17 =	sadd.s32 s29, s17;
	s31 =	sshrl.u32 s19, $0x3  }
0x58: {  	s16 =	sor.u32 $0x100, s16;
	s17 =	sadd.s32 s31, s17  }
0x59: {  	[hbm4b:s17+s16] =	stream.strided.scatter [tilespmem:s20], [sflag:$0x2], $0x4000, s9, s16, $0x38;
	[tilespmem:$0x10000] =	vst v63  }
.LBB1_8:
0x5a: {  	_ =	sfence.sel $0x180000  }
0x5b: {  	s2 =	simm.s32 $0x1;
	[bflag:$0x0] =	sbarrier.arrive $0xFFFF  }
0x5c: {  	s31 =	simm.s32 $0x2;
	[sflag:s2] =	ssyncpa.u1 $0x1  }
0x5d: {  	[sflag:s31] =	ssyncpa.u1 $0x1  }
0x5e: {  	p0 =	sne.s32 s0, $0x0;
	_ =	strace $0x9000004A  }
0x5f: {  	s0 =	sadd.s32 @!p0 $0x100000, s1;
	[bflag:$0x2] =	sbarrier.arrive $0xFFFF  }
0x60: {  	[sflag:s0] =	ssyncadd.tile.s32 @!p0 $0x1;
	_ =	shalt  }
.Lfunc_end1:
_tile_overlayer_lowered:
.L_overlay_start_2:
0x61: {  	(tag) =	ssettag $0x2  }
0x62: {  	s0 =	rddreg [dreg:$0x0];
	s2 =	stileid.u32  }
0x63: {  	s1 =	rddreg [dreg:$0x1];
	p0 =	sne.s32 s2, $0x0  }
0x64: {  	s3 =	rddreg [dreg:$0x2];
	[bflag:$0x3] =	sbarrier.arrive $0xFFFF;
	s2 =	simm.s32 @!p0 $0x1C01  }
0x65: {  	[timem:s3], [sflag:s2] =	dma.local @!p0 [hbm:s0], s1  }
0x66: {  	s0 =	simm.s32 @!p0 $0x1  }
0x67: {  	_ =	swait.ge @!p0 [sflag:s0], s1  }
0x68: {  	s1 =	ssub.s32 @!p0 $0x0, s1;
	[sflag:s0] =	ssyncset.done @!p0 $0x0  }
0x69: {  	[sflag:s0] =	ssyncadd.s32 @!p0 s1  }
0x6a: {  	[bflag:$0x3] =	sbarrier.arrive $0xFFFF  }
0x6b: {  	_ =	shalt  }

</sc_bundles>
